<compile_context>
chip_gen: v7x
topology: tpu7x:2x2x1
jax: 0.10.2.dev20260603
libtpu: 0.0.44.dev20260713+nightly
codegen_flags: <defaults>
</compile_context>

<pallas_src>
import functools

import jax
import jax.numpy as jnp
from jax.experimental import pallas as pl
from jax.experimental.pallas import tpu as pltpu

_NUM_CLASSES = 21
_THRESHOLD = 0.5
_NEGPOS_RATIO = 3
_VAR0, _VAR1 = 0.1, 0.2
_MIN_DIM = 300.0
_P = 8732
_R, _L = 70, 128
_PPAD = _R * _L
_NOBJ = 12
_MAX_FINITE_BITS = 0x7F7FFFFF


def _mbox_body(targets_ref, defaults_ref, loc_ref, conf_ref,
               ll_ref, lc_ref, np_ref):
    f32 = jnp.float32
    i32 = jnp.int32

    row = jax.lax.broadcasted_iota(i32, (_R, _L), 0)
    col = jax.lax.broadcasted_iota(i32, (_R, _L), 1)
    gidx = row * _L + col
    valid = gidx < _P

    cx = defaults_ref[0]
    cy = defaults_ref[1]
    w = defaults_ref[2]
    h = defaults_ref[3]
    px1 = cx - w * 0.5
    py1 = cy - h * 0.5
    px2 = cx + w * 0.5
    py2 = cy + h * 0.5
    area_p = w * h

    bto = jnp.full((_R, _L), -1.0, f32)
    bti = jnp.zeros((_R, _L), i32)
    bpi = []
    for t in range(_NOBJ):
        tx1 = targets_ref[0, t, 0]
        ty1 = targets_ref[0, t, 1]
        tx2 = targets_ref[0, t, 2]
        ty2 = targets_ref[0, t, 3]
        iw = jnp.maximum(jnp.minimum(px2, tx2) - jnp.maximum(px1, tx1), 0.0)
        ih = jnp.maximum(jnp.minimum(py2, ty2) - jnp.maximum(py1, ty1), 0.0)
        inter = iw * ih
        at = (tx2 - tx1) * (ty2 - ty1)
        ov = inter / (at + area_p - inter)
        ov = jnp.where(valid, ov, -1.0)
        upd = ov > bto
        bti = jnp.where(upd, t, bti)
        bto = jnp.where(upd, ov, bto)
        mt = jnp.max(ov)
        first = jnp.min(jnp.where(ov == mt, gidx, _PPAD))
        bpi.append(first)
    for t in range(_NOBJ):
        m = gidx == bpi[t]
        bto = jnp.where(m, 2.0, bto)
        bti = jnp.where(m, t, bti)

    lab = jnp.zeros((_R, _L), f32)
    mx1 = jnp.zeros((_R, _L), f32)
    my1 = jnp.zeros((_R, _L), f32)
    mx2 = jnp.zeros((_R, _L), f32)
    my2 = jnp.zeros((_R, _L), f32)
    for t in range(_NOBJ):
        m = bti == t
        lab = jnp.where(m, targets_ref[0, t, 4], lab)
        mx1 = jnp.where(m, targets_ref[0, t, 0], mx1)
        my1 = jnp.where(m, targets_ref[0, t, 1], my1)
        mx2 = jnp.where(m, targets_ref[0, t, 2], mx2)
        my2 = jnp.where(m, targets_ref[0, t, 3], my2)
    conf_t = jnp.where(bto < _THRESHOLD, 0, lab.astype(i32) + 1)
    pos = conf_t > 0

    gcx = ((mx1 + mx2) * 0.5 - cx) / (_VAR0 * w)
    gcy = ((my1 + my2) * 0.5 - cy) / (_VAR0 * h)
    gw = jnp.log((mx2 - mx1) / w) / _VAR1
    gh = jnp.log((my2 - my1) / h) / _VAR1
    llacc = jnp.float32(0.0)
    for c, g in enumerate((gcx, gcy, gw, gh)):
        d = loc_ref[0, c] - g
        ad = jnp.abs(d)
        sl = jnp.where(ad < 1.0, 0.5 * d * d, ad - 0.5)
        llacc += jnp.sum(jnp.where(pos, sl, 0.0))

    x = conf_ref[0]
    m = jnp.max(x, axis=0)
    s = jnp.zeros((_R, _L), f32)
    for c in range(_NUM_CLASSES):
        s += jnp.exp(x[c] - m)
    lse = m + jnp.log(s)
    g = jnp.zeros((_R, _L), f32)
    for c in range(_NUM_CLASSES):
        g = jnp.where(conf_t == c, x[c], g)
    ce = lse - g

    num_pos = jnp.sum(pos.astype(i32))
    k = jnp.minimum(_NEGPOS_RATIO * num_pos, _P - 1)
    loss_pos = jnp.sum(jnp.where(pos, ce, 0.0))

    loss_c = jnp.where(pos | jnp.logical_not(valid), 0.0, ce)
    bits = jax.lax.bitcast_convert_type(loss_c, i32)

    def body(_, carry):
        lo, hi = carry
        mid = lo + (hi - lo + 1) // 2
        cnt = jnp.sum((bits >= mid).astype(i32))
        ge = cnt >= k
        return jnp.where(ge, mid, lo), jnp.where(ge, hi, mid - 1)

    lo, _hi = jax.lax.fori_loop(
        0, 32, body, (jnp.int32(0), jnp.int32(_MAX_FINITE_BITS)))
    tval = jnp.max(jnp.where(bits <= lo, loss_c, 0.0))
    cgt = jnp.sum((bits > lo).astype(i32))
    above = jnp.sum(jnp.where(bits > lo, loss_c, 0.0))
    topk = above + (k - cgt).astype(f32) * tval

    ll_ref[0] = jnp.full((1, 1), llacc, f32)
    lc_ref[0] = jnp.full((1, 1), loss_pos + topk, f32)
    np_ref[0] = jnp.full((1, 1), num_pos, f32)


def _build_call(batch):
    return pl.pallas_call(
        _mbox_body,
        grid=(batch,),
        in_specs=[
            pl.BlockSpec((1, _NOBJ, 5), lambda b: (b, 0, 0),
                         memory_space=pltpu.SMEM),
            pl.BlockSpec((4, _R, _L), lambda b: (0, 0, 0)),
            pl.BlockSpec((1, 4, _R, _L), lambda b: (b, 0, 0, 0)),
            pl.BlockSpec((1, _NUM_CLASSES, _R, _L), lambda b: (b, 0, 0, 0)),
        ],
        out_specs=[
            pl.BlockSpec((1, 1, 1), lambda b: (b, 0, 0)),
            pl.BlockSpec((1, 1, 1), lambda b: (b, 0, 0)),
            pl.BlockSpec((1, 1, 1), lambda b: (b, 0, 0)),
        ],
        out_shape=[
            jax.ShapeDtypeStruct((batch, 1, 1), jnp.float32),
            jax.ShapeDtypeStruct((batch, 1, 1), jnp.float32),
            jax.ShapeDtypeStruct((batch, 1, 1), jnp.float32),
        ],
    )


@jax.jit
def kernel(loc_data, conf_data, priors, targets):
    batch = loc_data.shape[0]
    pad = _PPAD - _P
    defaults = priors * _MIN_DIM
    pad_rows = jnp.broadcast_to(
        jnp.array([-1e6, -1e6, 1.0, 1.0], jnp.float32), (pad, 4))
    d_t = jnp.concatenate([defaults, pad_rows], axis=0).T.reshape(4, _R, _L)
    loc_t = jnp.pad(loc_data, ((0, 0), (0, pad), (0, 0))
                    ).reshape(batch, 4, _R, _L)
    conf_t = jnp.pad(conf_data, ((0, 0), (0, pad * 21 // 21), (0, 0))
                     ).reshape(batch, _NUM_CLASSES, _R, _L)
    ll_b, lc_b, np_b = _build_call(batch)(targets, d_t, loc_t, conf_t)
    n = np_b[:, 0, 0]
    return jnp.sum(ll_b) / n, jnp.sum(lc_b) / n

# --- scband reference (transcript-rebuilt; emitter-appended) ---
"""Pipeline reference for scband-multi-box-loss-71047349010540 (READ-ONLY COPY).

The authoritative reference and input builder live on the scoring server;
editing this copy changes nothing except your own understanding.
"""

import jax, jax.numpy as jnp
import numpy as np

NUM_CLASSES = 21
THRESHOLD = 0.5
NEGPOS_RATIO = 3
VAR0, VAR1 = 0.1, 0.2
MIN_DIM = 300.0
B, P, NOBJ = 64, 8732, 12


def point_form(boxes):
    return jnp.concatenate([boxes[:, :2] - boxes[:, 2:] / 2.0,
                            boxes[:, :2] + boxes[:, 2:] / 2.0], axis=1)


def intersect(box_a, box_b):
    max_xy = jnp.minimum(box_a[:, None, 2:], box_b[None, :, 2:])
    min_xy = jnp.maximum(box_a[:, None, :2], box_b[None, :, :2])
    inter = jnp.clip(max_xy - min_xy, 0.0, None)
    return inter[:, :, 0] * inter[:, :, 1]


def jaccard(box_a, box_b):
    inter = intersect(box_a, box_b)
    area_a = ((box_a[:, 2] - box_a[:, 0]) * (box_a[:, 3] - box_a[:, 1]))[:, None]
    area_b = ((box_b[:, 2] - box_b[:, 0]) * (box_b[:, 3] - box_b[:, 1]))[None, :]
    return inter / (area_a + area_b - inter)


def encode(matched, priors):
    g_cxcy = (matched[:, :2] + matched[:, 2:]) / 2.0 - priors[:, :2]
    g_cxcy = g_cxcy / (VAR0 * priors[:, 2:])
    g_wh = (matched[:, 2:] - matched[:, :2]) / priors[:, 2:]
    g_wh = jnp.log(g_wh) / VAR1
    return jnp.concatenate([g_cxcy, g_wh], axis=1)


def match_one(truths, labels, defaults):
    overlaps = jaccard(truths, point_form(defaults))  # [nobj, P]
    best_prior_idx = jnp.argmax(overlaps, axis=1)     # [nobj]
    best_truth_overlap = jnp.max(overlaps, axis=0)    # [P]
    best_truth_idx = jnp.argmax(overlaps, axis=0)     # [P]
    best_truth_overlap = best_truth_overlap.at[best_prior_idx].set(2.0)
    best_truth_idx = best_truth_idx.at[best_prior_idx].set(jnp.arange(truths.shape[0]))
    matches = truths[best_truth_idx]                  # [P, 4]
    conf = labels[best_truth_idx].astype(jnp.int32) + 1
    conf = jnp.where(best_truth_overlap < THRESHOLD, 0, conf)
    loc = encode(matches, defaults)
    return loc, conf


def smooth_l1(x):
    ax = jnp.abs(x)
    return jnp.where(ax < 1.0, 0.5 * x * x, ax - 0.5)


def _forward(loc_data, conf_data, priors, targets):
    num = loc_data.shape[0]
    num_priors = loc_data.shape[1]
    defaults = MIN_DIM * priors[:num_priors, :]
    truths = targets[:, :, :4]
    labels = targets[:, :, 4]
    loc_t, conf_t = jax.vmap(lambda t, l: match_one(t, l, defaults))(truths, labels)
    pos = conf_t > 0                                   # [B, P]
    num_pos = jnp.sum(pos.astype(jnp.int32), axis=1, keepdims=True)
    num_neg = jnp.minimum(NEGPOS_RATIO * num_pos, num_priors - 1)
    # localization loss over positives (SmoothL1, sum reduction)
    diff = loc_data - loc_t
    loss_l = jnp.sum(jnp.where(pos[:, :, None], smooth_l1(diff), 0.0))
    # per-prior conf loss for hard negative mining
    batch_conf = conf_data.reshape(-1, NUM_CLASSES)
    lse = jax.nn.logsumexp(batch_conf, axis=1)
    gathered = jnp.take_along_axis(batch_conf, conf_t.reshape(-1, 1), axis=1)[:, 0]
    loss_c = lse - gathered
    loss_c = jnp.where(pos.reshape(-1), 0.0, loss_c)
    loss_c = loss_c.reshape(num, -1)
    loss_idx = jnp.argsort(-loss_c, axis=1)            # descending sort
    idx_rank = jnp.argsort(loss_idx, axis=1)
    neg = idx_rank < num_neg                           # [B, P]
    sel = pos | neg
    # cross entropy over selected pos+neg priors (sum reduction)
    logp = jax.nn.log_softmax(conf_data, axis=-1)
    ce = -jnp.take_along_axis(logp, conf_t[:, :, None], axis=2)[:, :, 0]
    loss_conf = jnp.sum(jnp.where(sel, ce, 0.0))
    N = num_pos[:, 0].astype(jnp.float32)
    return loss_l / N, loss_conf / N


def setup_inputs(seed: int = 0):
    key = jax.random.key(seed)
    k1, k2, k3, k4, k5, k6 = jax.random.split(key, 6)
    loc_data = jax.random.normal(k1, (B, P, 4), dtype=jnp.float32) * 0.1
    conf_data = jax.random.normal(k2, (B, P, NUM_CLASSES), dtype=jnp.float32)
    cxcy = jax.random.uniform(k3, (P, 2), minval=0.1, maxval=0.9)
    wh = jax.random.uniform(k4, (P, 2), minval=0.05, maxval=0.5)
    priors = jnp.concatenate([cxcy, wh], axis=1).astype(jnp.float32)
    mins = jax.random.uniform(k5, (B, NOBJ, 2), minval=0.0, maxval=0.6)
    sizes = jax.random.uniform(k6, (B, NOBJ, 2), minval=0.05, maxval=0.35)
    labels = jax.random.randint(jax.random.fold_in(key, 7), (B, NOBJ, 1), 0, NUM_CLASSES - 1).astype(jnp.float32)
    targets = jnp.concatenate([mins, mins + sizes, labels], axis=2).astype(jnp.float32)
    return {"loc_data": loc_data, "conf_data": conf_data, "priors": priors, "targets": targets}


def reference(loc_data, conf_data, priors, targets):
    return _forward(loc_data, conf_data, priors, targets)

if __name__ == "__main__":
    import jax
    _d = setup_inputs()
    print(jax.jit(kernel)(*tuple(_d.values())))

</pallas_src>

<mosaic_0001>
module attributes {stable_mosaic.version = 14 : i64} {
  func.func @_mbox_body(%arg0: i32, %arg1: memref<1x12x5xf32, #tpu.memory_space<smem>>, %arg2: memref<4x70x128xf32, #tpu.memory_space<vmem>>, %arg3: memref<1x4x70x128xf32, #tpu.memory_space<vmem>>, %arg4: memref<1x21x70x128xf32, #tpu.memory_space<vmem>>, %arg5: memref<1x1x1xf32, #tpu.memory_space<vmem>>, %arg6: memref<1x1x1xf32, #tpu.memory_space<vmem>>, %arg7: memref<1x1x1xf32, #tpu.memory_space<vmem>>) attributes {dimension_semantics = [#tpu.dimension_semantics<arbitrary>], iteration_bounds = array<i64: 64>, scalar_prefetch = 0 : i64, scratch_operands = 0 : i64, tpu.core_type = #tpu.core_type<tc>, window_params = [{transform_indices = @transform_0, window_bounds = array<i64: 1, 12, 5>}, {pipeline_mode = #tpu.pipeline_mode<synchronous>, transform_indices = @transform_1, window_bounds = array<i64: 4, 70, 128>}, {transform_indices = @transform_2, window_bounds = array<i64: 1, 4, 70, 128>}, {transform_indices = @transform_3, window_bounds = array<i64: 1, 21, 70, 128>}, {transform_indices = @transform_4, window_bounds = array<i64: 1, 1, 1>}, {transform_indices = @transform_5, window_bounds = array<i64: 1, 1, 1>}, {transform_indices = @transform_6, window_bounds = array<i64: 1, 1, 1>}]} {
    %iota3A = tpu.iota {dimensions = array<i32: 0>} : vector<70x128xi32>
    %iota3A_0 = tpu.iota {dimensions = array<i32: 1>} : vector<70x128xi32>
    %mul3A = arith.constant 128 : i32
    %mul3A_1 = vector.broadcast %mul3A : i32 to vector<70x128xi32>
    %mul3A_2 = arith.muli %iota3A, %mul3A_1 : vector<70x128xi32>
    %add3A = arith.addi %mul3A_2, %iota3A_0 : vector<70x128xi32>
    %lt3A = arith.constant 8732 : i32
    %lt3A_3 = vector.broadcast %lt3A : i32 to vector<70x128xi32>
    %lt3A_4 = arith.cmpi slt, %add3A, %lt3A_3 : vector<70x128xi32>
    %get3A = arith.constant 0 : index
    %get3A_5 = arith.constant 0 : index
    %get3A_6 = arith.constant 0 : index
    %get3A_7 = vector.load %arg2[%get3A, %get3A_5, %get3A_6] : memref<4x70x128xf32, #tpu.memory_space<vmem>>, vector<1x70x128xf32>
    %get3A_8 = vector.shape_cast %get3A_7 : vector<1x70x128xf32> to vector<70x128xf32>
    %get3A_9 = arith.constant 1 : index
    %get3A_10 = arith.constant 0 : index
    %get3A_11 = arith.constant 0 : index
    %get3A_12 = vector.load %arg2[%get3A_9, %get3A_10, %get3A_11] : memref<4x70x128xf32, #tpu.memory_space<vmem>>, vector<1x70x128xf32>
    %get3A_13 = vector.shape_cast %get3A_12 : vector<1x70x128xf32> to vector<70x128xf32>
    %get3A_14 = arith.constant 2 : index
    %get3A_15 = arith.constant 0 : index
    %get3A_16 = arith.constant 0 : index
    %get3A_17 = vector.load %arg2[%get3A_14, %get3A_15, %get3A_16] : memref<4x70x128xf32, #tpu.memory_space<vmem>>, vector<1x70x128xf32>
    %get3A_18 = vector.shape_cast %get3A_17 : vector<1x70x128xf32> to vector<70x128xf32>
    %get3A_19 = arith.constant 3 : index
    %get3A_20 = arith.constant 0 : index
    %get3A_21 = arith.constant 0 : index
    %get3A_22 = vector.load %arg2[%get3A_19, %get3A_20, %get3A_21] : memref<4x70x128xf32, #tpu.memory_space<vmem>>, vector<1x70x128xf32>
    %get3A_23 = vector.shape_cast %get3A_22 : vector<1x70x128xf32> to vector<70x128xf32>
    %mul3A_24 = arith.constant 5.000000e-01 : f32
    %mul3A_25 = vector.broadcast %mul3A_24 : f32 to vector<70x128xf32>
    %mul3A_26 = arith.mulf %get3A_18, %mul3A_25 : vector<70x128xf32>
    %sub3A = arith.subf %get3A_8, %mul3A_26 : vector<70x128xf32>
    %mul3A_27 = arith.constant 5.000000e-01 : f32
    %mul3A_28 = vector.broadcast %mul3A_27 : f32 to vector<70x128xf32>
    %mul3A_29 = arith.mulf %get3A_23, %mul3A_28 : vector<70x128xf32>
    %sub3A_30 = arith.subf %get3A_13, %mul3A_29 : vector<70x128xf32>
    %mul3A_31 = arith.constant 5.000000e-01 : f32
    %mul3A_32 = vector.broadcast %mul3A_31 : f32 to vector<70x128xf32>
    %mul3A_33 = arith.mulf %get3A_18, %mul3A_32 : vector<70x128xf32>
    %add3A_34 = arith.addf %get3A_8, %mul3A_33 : vector<70x128xf32>
    %mul3A_35 = arith.constant 5.000000e-01 : f32
    %mul3A_36 = vector.broadcast %mul3A_35 : f32 to vector<70x128xf32>
    %mul3A_37 = arith.mulf %get3A_23, %mul3A_36 : vector<70x128xf32>
    %add3A_38 = arith.addf %get3A_13, %mul3A_37 : vector<70x128xf32>
    %mul3A_39 = arith.mulf %get3A_18, %get3A_23 : vector<70x128xf32>
    %broadcast_in_dim3A = arith.constant -1.000000e+00 : f32
    %broadcast_in_dim3A_40 = vector.broadcast %broadcast_in_dim3A : f32 to vector<70x128xf32>
    %broadcast_in_dim3A_41 = arith.constant 0 : i32
    %broadcast_in_dim3A_42 = vector.broadcast %broadcast_in_dim3A_41 : i32 to vector<70x128xi32>
    %get3A_43 = arith.constant 0 : index
    %get3A_44 = arith.constant 0 : index
    %get3A_45 = arith.constant 0 : index
    %get3A_46 = memref.load %arg1[%get3A_43, %get3A_44, %get3A_45] : memref<1x12x5xf32, #tpu.memory_space<smem>>
    %get3A_47 = arith.constant 0 : index
    %get3A_48 = arith.constant 0 : index
    %get3A_49 = arith.constant 1 : index
    %get3A_50 = memref.load %arg1[%get3A_47, %get3A_48, %get3A_49] : memref<1x12x5xf32, #tpu.memory_space<smem>>
    %get3A_51 = arith.constant 0 : index
    %get3A_52 = arith.constant 0 : index
    %get3A_53 = arith.constant 2 : index
    %get3A_54 = memref.load %arg1[%get3A_51, %get3A_52, %get3A_53] : memref<1x12x5xf32, #tpu.memory_space<smem>>
    %get3A_55 = arith.constant 0 : index
    %get3A_56 = arith.constant 0 : index
    %get3A_57 = arith.constant 3 : index
    %get3A_58 = memref.load %arg1[%get3A_55, %get3A_56, %get3A_57] : memref<1x12x5xf32, #tpu.memory_space<smem>>
    %min3A = vector.broadcast %get3A_54 : f32 to vector<70x128xf32>
    %min3A_59 = arith.minimumf %add3A_34, %min3A : vector<70x128xf32>
    %max3A = vector.broadcast %get3A_46 : f32 to vector<70x128xf32>
    %max3A_60 = arith.maximumf %sub3A, %max3A : vector<70x128xf32>
    %sub3A_61 = arith.subf %min3A_59, %max3A_60 : vector<70x128xf32>
    %max3A_62 = arith.constant 0.000000e+00 : f32
    %max3A_63 = vector.broadcast %max3A_62 : f32 to vector<70x128xf32>
    %max3A_64 = arith.maximumf %sub3A_61, %max3A_63 : vector<70x128xf32>
    %min3A_65 = vector.broadcast %get3A_58 : f32 to vector<70x128xf32>
    %min3A_66 = arith.minimumf %add3A_38, %min3A_65 : vector<70x128xf32>
    %max3A_67 = vector.broadcast %get3A_50 : f32 to vector<70x128xf32>
    %max3A_68 = arith.maximumf %sub3A_30, %max3A_67 : vector<70x128xf32>
    %sub3A_69 = arith.subf %min3A_66, %max3A_68 : vector<70x128xf32>
    %max3A_70 = arith.constant 0.000000e+00 : f32
    %max3A_71 = vector.broadcast %max3A_70 : f32 to vector<70x128xf32>
    %max3A_72 = arith.maximumf %sub3A_69, %max3A_71 : vector<70x128xf32>
    %mul3A_73 = arith.mulf %max3A_64, %max3A_72 : vector<70x128xf32>
    %sub3A_74 = arith.subf %get3A_54, %get3A_46 : f32
    %sub3A_75 = arith.subf %get3A_58, %get3A_50 : f32
    %mul3A_76 = arith.mulf %sub3A_74, %sub3A_75 : f32
    %add3A_77 = vector.broadcast %mul3A_76 : f32 to vector<70x128xf32>
    %add3A_78 = arith.addf %add3A_77, %mul3A_39 : vector<70x128xf32>
    %sub3A_79 = arith.subf %add3A_78, %mul3A_73 : vector<70x128xf32>
    %div3A = arith.divf %mul3A_73, %sub3A_79 : vector<70x128xf32>
    %jit3A = arith.constant -1.000000e+00 : f32
    %broadcast_in_dim3A_80 = vector.broadcast %jit3A : f32 to vector<70x128xf32>
    %select_n3A = arith.select %lt3A_4, %div3A, %broadcast_in_dim3A_80 : vector<70x128xi1>, vector<70x128xf32>
    %gt3A = arith.cmpf ogt, %select_n3A, %broadcast_in_dim3A_40 : vector<70x128xf32>
    %jit3A_81 = arith.constant 0 : i32
    %broadcast_in_dim3A_82 = vector.broadcast %jit3A_81 : i32 to vector<70x128xi32>
    %select_n3A_83 = arith.select %gt3A, %broadcast_in_dim3A_82, %broadcast_in_dim3A_42 : vector<70x128xi1>, vector<70x128xi32>
    %select_n3A_84 = arith.select %gt3A, %select_n3A, %broadcast_in_dim3A_40 : vector<70x128xi1>, vector<70x128xf32>
    %reduce_max3A = vector.shape_cast %select_n3A : vector<70x128xf32> to vector<1x70x128xf32>
    %reduce_max3A_85 = arith.constant dense<0xFF800000> : vector<1xf32>
    %reduce_max3A_86 = vector.multi_reduction <maximumf>, %reduce_max3A, %reduce_max3A_85 [1, 2] : vector<1x70x128xf32> to vector<1xf32>
    %reduce_max3A_87 = vector.shape_cast %reduce_max3A_86 : vector<1xf32> to vector<1x1x1xf32>
    %reduce_max3A_88 = vector.extract %reduce_max3A_87[0, 0, 0] : f32 from vector<1x1x1xf32>
    %eq3A = vector.broadcast %reduce_max3A_88 : f32 to vector<70x128xf32>
    %eq3A_89 = arith.cmpf oeq, %select_n3A, %eq3A : vector<70x128xf32>
    %jit3A_90 = arith.constant 8960 : i32
    %broadcast_in_dim3A_91 = vector.broadcast %jit3A_90 : i32 to vector<70x128xi32>
    %select_n3A_92 = arith.select %eq3A_89, %add3A, %broadcast_in_dim3A_91 : vector<70x128xi1>, vector<70x128xi32>
    %reduce_min3A = vector.shape_cast %select_n3A_92 : vector<70x128xi32> to vector<1x70x128xi32>
    %reduce_min3A_93 = arith.constant dense<2147483647> : vector<1xi32>
    %reduce_min3A_94 = vector.multi_reduction <minsi>, %reduce_min3A, %reduce_min3A_93 [1, 2] : vector<1x70x128xi32> to vector<1xi32>
    %reduce_min3A_95 = vector.shape_cast %reduce_min3A_94 : vector<1xi32> to vector<1x1x1xi32>
    %reduce_min3A_96 = vector.extract %reduce_min3A_95[0, 0, 0] : i32 from vector<1x1x1xi32>
    %get3A_97 = arith.constant 0 : index
    %get3A_98 = arith.constant 1 : index
    %get3A_99 = arith.constant 0 : index
    %get3A_100 = memref.load %arg1[%get3A_97, %get3A_98, %get3A_99] : memref<1x12x5xf32, #tpu.memory_space<smem>>
    %get3A_101 = arith.constant 0 : index
    %get3A_102 = arith.constant 1 : index
    %get3A_103 = arith.constant 1 : index
    %get3A_104 = memref.load %arg1[%get3A_101, %get3A_102, %get3A_103] : memref<1x12x5xf32, #tpu.memory_space<smem>>
    %get3A_105 = arith.constant 0 : index
    %get3A_106 = arith.constant 1 : index
    %get3A_107 = arith.constant 2 : index
    %get3A_108 = memref.load %arg1[%get3A_105, %get3A_106, %get3A_107] : memref<1x12x5xf32, #tpu.memory_space<smem>>
    %get3A_109 = arith.constant 0 : index
    %get3A_110 = arith.constant 1 : index
    %get3A_111 = arith.constant 3 : index
    %get3A_112 = memref.load %arg1[%get3A_109, %get3A_110, %get3A_111] : memref<1x12x5xf32, #tpu.memory_space<smem>>
    %min3A_113 = vector.broadcast %get3A_108 : f32 to vector<70x128xf32>
    %min3A_114 = arith.minimumf %add3A_34, %min3A_113 : vector<70x128xf32>
    %max3A_115 = vector.broadcast %get3A_100 : f32 to vector<70x128xf32>
    %max3A_116 = arith.maximumf %sub3A, %max3A_115 : vector<70x128xf32>
    %sub3A_117 = arith.subf %min3A_114, %max3A_116 : vector<70x128xf32>
    %max3A_118 = arith.constant 0.000000e+00 : f32
    %max3A_119 = vector.broadcast %max3A_118 : f32 to vector<70x128xf32>
    %max3A_120 = arith.maximumf %sub3A_117, %max3A_119 : vector<70x128xf32>
    %min3A_121 = vector.broadcast %get3A_112 : f32 to vector<70x128xf32>
    %min3A_122 = arith.minimumf %add3A_38, %min3A_121 : vector<70x128xf32>
    %max3A_123 = vector.broadcast %get3A_104 : f32 to vector<70x128xf32>
    %max3A_124 = arith.maximumf %sub3A_30, %max3A_123 : vector<70x128xf32>
    %sub3A_125 = arith.subf %min3A_122, %max3A_124 : vector<70x128xf32>
    %max3A_126 = arith.constant 0.000000e+00 : f32
    %max3A_127 = vector.broadcast %max3A_126 : f32 to vector<70x128xf32>
    %max3A_128 = arith.maximumf %sub3A_125, %max3A_127 : vector<70x128xf32>
    %mul3A_129 = arith.mulf %max3A_120, %max3A_128 : vector<70x128xf32>
    %sub3A_130 = arith.subf %get3A_108, %get3A_100 : f32
    %sub3A_131 = arith.subf %get3A_112, %get3A_104 : f32
    %mul3A_132 = arith.mulf %sub3A_130, %sub3A_131 : f32
    %add3A_133 = vector.broadcast %mul3A_132 : f32 to vector<70x128xf32>
    %add3A_134 = arith.addf %add3A_133, %mul3A_39 : vector<70x128xf32>
    %sub3A_135 = arith.subf %add3A_134, %mul3A_129 : vector<70x128xf32>
    %div3A_136 = arith.divf %mul3A_129, %sub3A_135 : vector<70x128xf32>
    %jit3A_137 = arith.constant -1.000000e+00 : f32
    %broadcast_in_dim3A_138 = vector.broadcast %jit3A_137 : f32 to vector<70x128xf32>
    %select_n3A_139 = arith.select %lt3A_4, %div3A_136, %broadcast_in_dim3A_138 : vector<70x128xi1>, vector<70x128xf32>
    %gt3A_140 = arith.cmpf ogt, %select_n3A_139, %select_n3A_84 : vector<70x128xf32>
    %jit3A_141 = arith.constant 1 : i32
    %broadcast_in_dim3A_142 = vector.broadcast %jit3A_141 : i32 to vector<70x128xi32>
    %select_n3A_143 = arith.select %gt3A_140, %broadcast_in_dim3A_142, %select_n3A_83 : vector<70x128xi1>, vector<70x128xi32>
    %select_n3A_144 = arith.select %gt3A_140, %select_n3A_139, %select_n3A_84 : vector<70x128xi1>, vector<70x128xf32>
    %reduce_max3A_145 = vector.shape_cast %select_n3A_139 : vector<70x128xf32> to vector<1x70x128xf32>
    %reduce_max3A_146 = arith.constant dense<0xFF800000> : vector<1xf32>
    %reduce_max3A_147 = vector.multi_reduction <maximumf>, %reduce_max3A_145, %reduce_max3A_146 [1, 2] : vector<1x70x128xf32> to vector<1xf32>
    %reduce_max3A_148 = vector.shape_cast %reduce_max3A_147 : vector<1xf32> to vector<1x1x1xf32>
    %reduce_max3A_149 = vector.extract %reduce_max3A_148[0, 0, 0] : f32 from vector<1x1x1xf32>
    %eq3A_150 = vector.broadcast %reduce_max3A_149 : f32 to vector<70x128xf32>
    %eq3A_151 = arith.cmpf oeq, %select_n3A_139, %eq3A_150 : vector<70x128xf32>
    %jit3A_152 = arith.constant 8960 : i32
    %broadcast_in_dim3A_153 = vector.broadcast %jit3A_152 : i32 to vector<70x128xi32>
    %select_n3A_154 = arith.select %eq3A_151, %add3A, %broadcast_in_dim3A_153 : vector<70x128xi1>, vector<70x128xi32>
    %reduce_min3A_155 = vector.shape_cast %select_n3A_154 : vector<70x128xi32> to vector<1x70x128xi32>
    %reduce_min3A_156 = arith.constant dense<2147483647> : vector<1xi32>
    %reduce_min3A_157 = vector.multi_reduction <minsi>, %reduce_min3A_155, %reduce_min3A_156 [1, 2] : vector<1x70x128xi32> to vector<1xi32>
    %reduce_min3A_158 = vector.shape_cast %reduce_min3A_157 : vector<1xi32> to vector<1x1x1xi32>
    %reduce_min3A_159 = vector.extract %reduce_min3A_158[0, 0, 0] : i32 from vector<1x1x1xi32>
    %get3A_160 = arith.constant 0 : index
    %get3A_161 = arith.constant 2 : index
    %get3A_162 = arith.constant 0 : index
    %get3A_163 = memref.load %arg1[%get3A_160, %get3A_161, %get3A_162] : memref<1x12x5xf32, #tpu.memory_space<smem>>
    %get3A_164 = arith.constant 0 : index
    %get3A_165 = arith.constant 2 : index
    %get3A_166 = arith.constant 1 : index
    %get3A_167 = memref.load %arg1[%get3A_164, %get3A_165, %get3A_166] : memref<1x12x5xf32, #tpu.memory_space<smem>>
    %get3A_168 = arith.constant 0 : index
    %get3A_169 = arith.constant 2 : index
    %get3A_170 = arith.constant 2 : index
    %get3A_171 = memref.load %arg1[%get3A_168, %get3A_169, %get3A_170] : memref<1x12x5xf32, #tpu.memory_space<smem>>
    %get3A_172 = arith.constant 0 : index
    %get3A_173 = arith.constant 2 : index
    %get3A_174 = arith.constant 3 : index
    %get3A_175 = memref.load %arg1[%get3A_172, %get3A_173, %get3A_174] : memref<1x12x5xf32, #tpu.memory_space<smem>>
    %min3A_176 = vector.broadcast %get3A_171 : f32 to vector<70x128xf32>
    %min3A_177 = arith.minimumf %add3A_34, %min3A_176 : vector<70x128xf32>
    %max3A_178 = vector.broadcast %get3A_163 : f32 to vector<70x128xf32>
    %max3A_179 = arith.maximumf %sub3A, %max3A_178 : vector<70x128xf32>
    %sub3A_180 = arith.subf %min3A_177, %max3A_179 : vector<70x128xf32>
    %max3A_181 = arith.constant 0.000000e+00 : f32
    %max3A_182 = vector.broadcast %max3A_181 : f32 to vector<70x128xf32>
    %max3A_183 = arith.maximumf %sub3A_180, %max3A_182 : vector<70x128xf32>
    %min3A_184 = vector.broadcast %get3A_175 : f32 to vector<70x128xf32>
    %min3A_185 = arith.minimumf %add3A_38, %min3A_184 : vector<70x128xf32>
    %max3A_186 = vector.broadcast %get3A_167 : f32 to vector<70x128xf32>
    %max3A_187 = arith.maximumf %sub3A_30, %max3A_186 : vector<70x128xf32>
    %sub3A_188 = arith.subf %min3A_185, %max3A_187 : vector<70x128xf32>
    %max3A_189 = arith.constant 0.000000e+00 : f32
    %max3A_190 = vector.broadcast %max3A_189 : f32 to vector<70x128xf32>
    %max3A_191 = arith.maximumf %sub3A_188, %max3A_190 : vector<70x128xf32>
    %mul3A_192 = arith.mulf %max3A_183, %max3A_191 : vector<70x128xf32>
    %sub3A_193 = arith.subf %get3A_171, %get3A_163 : f32
    %sub3A_194 = arith.subf %get3A_175, %get3A_167 : f32
    %mul3A_195 = arith.mulf %sub3A_193, %sub3A_194 : f32
    %add3A_196 = vector.broadcast %mul3A_195 : f32 to vector<70x128xf32>
    %add3A_197 = arith.addf %add3A_196, %mul3A_39 : vector<70x128xf32>
    %sub3A_198 = arith.subf %add3A_197, %mul3A_192 : vector<70x128xf32>
    %div3A_199 = arith.divf %mul3A_192, %sub3A_198 : vector<70x128xf32>
    %jit3A_200 = arith.constant -1.000000e+00 : f32
    %broadcast_in_dim3A_201 = vector.broadcast %jit3A_200 : f32 to vector<70x128xf32>
    %select_n3A_202 = arith.select %lt3A_4, %div3A_199, %broadcast_in_dim3A_201 : vector<70x128xi1>, vector<70x128xf32>
    %gt3A_203 = arith.cmpf ogt, %select_n3A_202, %select_n3A_144 : vector<70x128xf32>
    %jit3A_204 = arith.constant 2 : i32
    %broadcast_in_dim3A_205 = vector.broadcast %jit3A_204 : i32 to vector<70x128xi32>
    %select_n3A_206 = arith.select %gt3A_203, %broadcast_in_dim3A_205, %select_n3A_143 : vector<70x128xi1>, vector<70x128xi32>
    %select_n3A_207 = arith.select %gt3A_203, %select_n3A_202, %select_n3A_144 : vector<70x128xi1>, vector<70x128xf32>
    %reduce_max3A_208 = vector.shape_cast %select_n3A_202 : vector<70x128xf32> to vector<1x70x128xf32>
    %reduce_max3A_209 = arith.constant dense<0xFF800000> : vector<1xf32>
    %reduce_max3A_210 = vector.multi_reduction <maximumf>, %reduce_max3A_208, %reduce_max3A_209 [1, 2] : vector<1x70x128xf32> to vector<1xf32>
    %reduce_max3A_211 = vector.shape_cast %reduce_max3A_210 : vector<1xf32> to vector<1x1x1xf32>
    %reduce_max3A_212 = vector.extract %reduce_max3A_211[0, 0, 0] : f32 from vector<1x1x1xf32>
    %eq3A_213 = vector.broadcast %reduce_max3A_212 : f32 to vector<70x128xf32>
    %eq3A_214 = arith.cmpf oeq, %select_n3A_202, %eq3A_213 : vector<70x128xf32>
    %jit3A_215 = arith.constant 8960 : i32
    %broadcast_in_dim3A_216 = vector.broadcast %jit3A_215 : i32 to vector<70x128xi32>
    %select_n3A_217 = arith.select %eq3A_214, %add3A, %broadcast_in_dim3A_216 : vector<70x128xi1>, vector<70x128xi32>
    %reduce_min3A_218 = vector.shape_cast %select_n3A_217 : vector<70x128xi32> to vector<1x70x128xi32>
    %reduce_min3A_219 = arith.constant dense<2147483647> : vector<1xi32>
    %reduce_min3A_220 = vector.multi_reduction <minsi>, %reduce_min3A_218, %reduce_min3A_219 [1, 2] : vector<1x70x128xi32> to vector<1xi32>
    %reduce_min3A_221 = vector.shape_cast %reduce_min3A_220 : vector<1xi32> to vector<1x1x1xi32>
    %reduce_min3A_222 = vector.extract %reduce_min3A_221[0, 0, 0] : i32 from vector<1x1x1xi32>
    %get3A_223 = arith.constant 0 : index
    %get3A_224 = arith.constant 3 : index
    %get3A_225 = arith.constant 0 : index
    %get3A_226 = memref.load %arg1[%get3A_223, %get3A_224, %get3A_225] : memref<1x12x5xf32, #tpu.memory_space<smem>>
    %get3A_227 = arith.constant 0 : index
    %get3A_228 = arith.constant 3 : index
    %get3A_229 = arith.constant 1 : index
    %get3A_230 = memref.load %arg1[%get3A_227, %get3A_228, %get3A_229] : memref<1x12x5xf32, #tpu.memory_space<smem>>
    %get3A_231 = arith.constant 0 : index
    %get3A_232 = arith.constant 3 : index
    %get3A_233 = arith.constant 2 : index
    %get3A_234 = memref.load %arg1[%get3A_231, %get3A_232, %get3A_233] : memref<1x12x5xf32, #tpu.memory_space<smem>>
    %get3A_235 = arith.constant 0 : index
    %get3A_236 = arith.constant 3 : index
    %get3A_237 = arith.constant 3 : index
    %get3A_238 = memref.load %arg1[%get3A_235, %get3A_236, %get3A_237] : memref<1x12x5xf32, #tpu.memory_space<smem>>
    %min3A_239 = vector.broadcast %get3A_234 : f32 to vector<70x128xf32>
    %min3A_240 = arith.minimumf %add3A_34, %min3A_239 : vector<70x128xf32>
    %max3A_241 = vector.broadcast %get3A_226 : f32 to vector<70x128xf32>
    %max3A_242 = arith.maximumf %sub3A, %max3A_241 : vector<70x128xf32>
    %sub3A_243 = arith.subf %min3A_240, %max3A_242 : vector<70x128xf32>
    %max3A_244 = arith.constant 0.000000e+00 : f32
    %max3A_245 = vector.broadcast %max3A_244 : f32 to vector<70x128xf32>
    %max3A_246 = arith.maximumf %sub3A_243, %max3A_245 : vector<70x128xf32>
    %min3A_247 = vector.broadcast %get3A_238 : f32 to vector<70x128xf32>
    %min3A_248 = arith.minimumf %add3A_38, %min3A_247 : vector<70x128xf32>
    %max3A_249 = vector.broadcast %get3A_230 : f32 to vector<70x128xf32>
    %max3A_250 = arith.maximumf %sub3A_30, %max3A_249 : vector<70x128xf32>
    %sub3A_251 = arith.subf %min3A_248, %max3A_250 : vector<70x128xf32>
    %max3A_252 = arith.constant 0.000000e+00 : f32
    %max3A_253 = vector.broadcast %max3A_252 : f32 to vector<70x128xf32>
    %max3A_254 = arith.maximumf %sub3A_251, %max3A_253 : vector<70x128xf32>
    %mul3A_255 = arith.mulf %max3A_246, %max3A_254 : vector<70x128xf32>
    %sub3A_256 = arith.subf %get3A_234, %get3A_226 : f32
    %sub3A_257 = arith.subf %get3A_238, %get3A_230 : f32
    %mul3A_258 = arith.mulf %sub3A_256, %sub3A_257 : f32
    %add3A_259 = vector.broadcast %mul3A_258 : f32 to vector<70x128xf32>
    %add3A_260 = arith.addf %add3A_259, %mul3A_39 : vector<70x128xf32>
    %sub3A_261 = arith.subf %add3A_260, %mul3A_255 : vector<70x128xf32>
    %div3A_262 = arith.divf %mul3A_255, %sub3A_261 : vector<70x128xf32>
    %jit3A_263 = arith.constant -1.000000e+00 : f32
    %broadcast_in_dim3A_264 = vector.broadcast %jit3A_263 : f32 to vector<70x128xf32>
    %select_n3A_265 = arith.select %lt3A_4, %div3A_262, %broadcast_in_dim3A_264 : vector<70x128xi1>, vector<70x128xf32>
    %gt3A_266 = arith.cmpf ogt, %select_n3A_265, %select_n3A_207 : vector<70x128xf32>
    %jit3A_267 = arith.constant 3 : i32
    %broadcast_in_dim3A_268 = vector.broadcast %jit3A_267 : i32 to vector<70x128xi32>
    %select_n3A_269 = arith.select %gt3A_266, %broadcast_in_dim3A_268, %select_n3A_206 : vector<70x128xi1>, vector<70x128xi32>
    %select_n3A_270 = arith.select %gt3A_266, %select_n3A_265, %select_n3A_207 : vector<70x128xi1>, vector<70x128xf32>
    %reduce_max3A_271 = vector.shape_cast %select_n3A_265 : vector<70x128xf32> to vector<1x70x128xf32>
    %reduce_max3A_272 = arith.constant dense<0xFF800000> : vector<1xf32>
    %reduce_max3A_273 = vector.multi_reduction <maximumf>, %reduce_max3A_271, %reduce_max3A_272 [1, 2] : vector<1x70x128xf32> to vector<1xf32>
    %reduce_max3A_274 = vector.shape_cast %reduce_max3A_273 : vector<1xf32> to vector<1x1x1xf32>
    %reduce_max3A_275 = vector.extract %reduce_max3A_274[0, 0, 0] : f32 from vector<1x1x1xf32>
    %eq3A_276 = vector.broadcast %reduce_max3A_275 : f32 to vector<70x128xf32>
    %eq3A_277 = arith.cmpf oeq, %select_n3A_265, %eq3A_276 : vector<70x128xf32>
    %jit3A_278 = arith.constant 8960 : i32
    %broadcast_in_dim3A_279 = vector.broadcast %jit3A_278 : i32 to vector<70x128xi32>
    %select_n3A_280 = arith.select %eq3A_277, %add3A, %broadcast_in_dim3A_279 : vector<70x128xi1>, vector<70x128xi32>
    %reduce_min3A_281 = vector.shape_cast %select_n3A_280 : vector<70x128xi32> to vector<1x70x128xi32>
    %reduce_min3A_282 = arith.constant dense<2147483647> : vector<1xi32>
    %reduce_min3A_283 = vector.multi_reduction <minsi>, %reduce_min3A_281, %reduce_min3A_282 [1, 2] : vector<1x70x128xi32> to vector<1xi32>
    %reduce_min3A_284 = vector.shape_cast %reduce_min3A_283 : vector<1xi32> to vector<1x1x1xi32>
    %reduce_min3A_285 = vector.extract %reduce_min3A_284[0, 0, 0] : i32 from vector<1x1x1xi32>
    %get3A_286 = arith.constant 0 : index
    %get3A_287 = arith.constant 4 : index
    %get3A_288 = arith.constant 0 : index
    %get3A_289 = memref.load %arg1[%get3A_286, %get3A_287, %get3A_288] : memref<1x12x5xf32, #tpu.memory_space<smem>>
    %get3A_290 = arith.constant 0 : index
    %get3A_291 = arith.constant 4 : index
    %get3A_292 = arith.constant 1 : index
    %get3A_293 = memref.load %arg1[%get3A_290, %get3A_291, %get3A_292] : memref<1x12x5xf32, #tpu.memory_space<smem>>
    %get3A_294 = arith.constant 0 : index
    %get3A_295 = arith.constant 4 : index
    %get3A_296 = arith.constant 2 : index
    %get3A_297 = memref.load %arg1[%get3A_294, %get3A_295, %get3A_296] : memref<1x12x5xf32, #tpu.memory_space<smem>>
    %get3A_298 = arith.constant 0 : index
    %get3A_299 = arith.constant 4 : index
    %get3A_300 = arith.constant 3 : index
    %get3A_301 = memref.load %arg1[%get3A_298, %get3A_299, %get3A_300] : memref<1x12x5xf32, #tpu.memory_space<smem>>
    %min3A_302 = vector.broadcast %get3A_297 : f32 to vector<70x128xf32>
    %min3A_303 = arith.minimumf %add3A_34, %min3A_302 : vector<70x128xf32>
    %max3A_304 = vector.broadcast %get3A_289 : f32 to vector<70x128xf32>
    %max3A_305 = arith.maximumf %sub3A, %max3A_304 : vector<70x128xf32>
    %sub3A_306 = arith.subf %min3A_303, %max3A_305 : vector<70x128xf32>
    %max3A_307 = arith.constant 0.000000e+00 : f32
    %max3A_308 = vector.broadcast %max3A_307 : f32 to vector<70x128xf32>
    %max3A_309 = arith.maximumf %sub3A_306, %max3A_308 : vector<70x128xf32>
    %min3A_310 = vector.broadcast %get3A_301 : f32 to vector<70x128xf32>
    %min3A_311 = arith.minimumf %add3A_38, %min3A_310 : vector<70x128xf32>
    %max3A_312 = vector.broadcast %get3A_293 : f32 to vector<70x128xf32>
    %max3A_313 = arith.maximumf %sub3A_30, %max3A_312 : vector<70x128xf32>
    %sub3A_314 = arith.subf %min3A_311, %max3A_313 : vector<70x128xf32>
    %max3A_315 = arith.constant 0.000000e+00 : f32
    %max3A_316 = vector.broadcast %max3A_315 : f32 to vector<70x128xf32>
    %max3A_317 = arith.maximumf %sub3A_314, %max3A_316 : vector<70x128xf32>
    %mul3A_318 = arith.mulf %max3A_309, %max3A_317 : vector<70x128xf32>
    %sub3A_319 = arith.subf %get3A_297, %get3A_289 : f32
    %sub3A_320 = arith.subf %get3A_301, %get3A_293 : f32
    %mul3A_321 = arith.mulf %sub3A_319, %sub3A_320 : f32
    %add3A_322 = vector.broadcast %mul3A_321 : f32 to vector<70x128xf32>
    %add3A_323 = arith.addf %add3A_322, %mul3A_39 : vector<70x128xf32>
    %sub3A_324 = arith.subf %add3A_323, %mul3A_318 : vector<70x128xf32>
    %div3A_325 = arith.divf %mul3A_318, %sub3A_324 : vector<70x128xf32>
    %jit3A_326 = arith.constant -1.000000e+00 : f32
    %broadcast_in_dim3A_327 = vector.broadcast %jit3A_326 : f32 to vector<70x128xf32>
    %select_n3A_328 = arith.select %lt3A_4, %div3A_325, %broadcast_in_dim3A_327 : vector<70x128xi1>, vector<70x128xf32>
    %gt3A_329 = arith.cmpf ogt, %select_n3A_328, %select_n3A_270 : vector<70x128xf32>
    %jit3A_330 = arith.constant 4 : i32
    %broadcast_in_dim3A_331 = vector.broadcast %jit3A_330 : i32 to vector<70x128xi32>
    %select_n3A_332 = arith.select %gt3A_329, %broadcast_in_dim3A_331, %select_n3A_269 : vector<70x128xi1>, vector<70x128xi32>
    %select_n3A_333 = arith.select %gt3A_329, %select_n3A_328, %select_n3A_270 : vector<70x128xi1>, vector<70x128xf32>
    %reduce_max3A_334 = vector.shape_cast %select_n3A_328 : vector<70x128xf32> to vector<1x70x128xf32>
    %reduce_max3A_335 = arith.constant dense<0xFF800000> : vector<1xf32>
    %reduce_max3A_336 = vector.multi_reduction <maximumf>, %reduce_max3A_334, %reduce_max3A_335 [1, 2] : vector<1x70x128xf32> to vector<1xf32>
    %reduce_max3A_337 = vector.shape_cast %reduce_max3A_336 : vector<1xf32> to vector<1x1x1xf32>
    %reduce_max3A_338 = vector.extract %reduce_max3A_337[0, 0, 0] : f32 from vector<1x1x1xf32>
    %eq3A_339 = vector.broadcast %reduce_max3A_338 : f32 to vector<70x128xf32>
    %eq3A_340 = arith.cmpf oeq, %select_n3A_328, %eq3A_339 : vector<70x128xf32>
    %jit3A_341 = arith.constant 8960 : i32
    %broadcast_in_dim3A_342 = vector.broadcast %jit3A_341 : i32 to vector<70x128xi32>
    %select_n3A_343 = arith.select %eq3A_340, %add3A, %broadcast_in_dim3A_342 : vector<70x128xi1>, vector<70x128xi32>
    %reduce_min3A_344 = vector.shape_cast %select_n3A_343 : vector<70x128xi32> to vector<1x70x128xi32>
    %reduce_min3A_345 = arith.constant dense<2147483647> : vector<1xi32>
    %reduce_min3A_346 = vector.multi_reduction <minsi>, %reduce_min3A_344, %reduce_min3A_345 [1, 2] : vector<1x70x128xi32> to vector<1xi32>
    %reduce_min3A_347 = vector.shape_cast %reduce_min3A_346 : vector<1xi32> to vector<1x1x1xi32>
    %reduce_min3A_348 = vector.extract %reduce_min3A_347[0, 0, 0] : i32 from vector<1x1x1xi32>
    %get3A_349 = arith.constant 0 : index
    %get3A_350 = arith.constant 5 : index
    %get3A_351 = arith.constant 0 : index
    %get3A_352 = memref.load %arg1[%get3A_349, %get3A_350, %get3A_351] : memref<1x12x5xf32, #tpu.memory_space<smem>>
    %get3A_353 = arith.constant 0 : index
    %get3A_354 = arith.constant 5 : index
    %get3A_355 = arith.constant 1 : index
    %get3A_356 = memref.load %arg1[%get3A_353, %get3A_354, %get3A_355] : memref<1x12x5xf32, #tpu.memory_space<smem>>
    %get3A_357 = arith.constant 0 : index
    %get3A_358 = arith.constant 5 : index
    %get3A_359 = arith.constant 2 : index
    %get3A_360 = memref.load %arg1[%get3A_357, %get3A_358, %get3A_359] : memref<1x12x5xf32, #tpu.memory_space<smem>>
    %get3A_361 = arith.constant 0 : index
    %get3A_362 = arith.constant 5 : index
    %get3A_363 = arith.constant 3 : index
    %get3A_364 = memref.load %arg1[%get3A_361, %get3A_362, %get3A_363] : memref<1x12x5xf32, #tpu.memory_space<smem>>
    %min3A_365 = vector.broadcast %get3A_360 : f32 to vector<70x128xf32>
    %min3A_366 = arith.minimumf %add3A_34, %min3A_365 : vector<70x128xf32>
    %max3A_367 = vector.broadcast %get3A_352 : f32 to vector<70x128xf32>
    %max3A_368 = arith.maximumf %sub3A, %max3A_367 : vector<70x128xf32>
    %sub3A_369 = arith.subf %min3A_366, %max3A_368 : vector<70x128xf32>
    %max3A_370 = arith.constant 0.000000e+00 : f32
    %max3A_371 = vector.broadcast %max3A_370 : f32 to vector<70x128xf32>
    %max3A_372 = arith.maximumf %sub3A_369, %max3A_371 : vector<70x128xf32>
    %min3A_373 = vector.broadcast %get3A_364 : f32 to vector<70x128xf32>
    %min3A_374 = arith.minimumf %add3A_38, %min3A_373 : vector<70x128xf32>
    %max3A_375 = vector.broadcast %get3A_356 : f32 to vector<70x128xf32>
    %max3A_376 = arith.maximumf %sub3A_30, %max3A_375 : vector<70x128xf32>
    %sub3A_377 = arith.subf %min3A_374, %max3A_376 : vector<70x128xf32>
    %max3A_378 = arith.constant 0.000000e+00 : f32
    %max3A_379 = vector.broadcast %max3A_378 : f32 to vector<70x128xf32>
    %max3A_380 = arith.maximumf %sub3A_377, %max3A_379 : vector<70x128xf32>
    %mul3A_381 = arith.mulf %max3A_372, %max3A_380 : vector<70x128xf32>
    %sub3A_382 = arith.subf %get3A_360, %get3A_352 : f32
    %sub3A_383 = arith.subf %get3A_364, %get3A_356 : f32
    %mul3A_384 = arith.mulf %sub3A_382, %sub3A_383 : f32
    %add3A_385 = vector.broadcast %mul3A_384 : f32 to vector<70x128xf32>
    %add3A_386 = arith.addf %add3A_385, %mul3A_39 : vector<70x128xf32>
    %sub3A_387 = arith.subf %add3A_386, %mul3A_381 : vector<70x128xf32>
    %div3A_388 = arith.divf %mul3A_381, %sub3A_387 : vector<70x128xf32>
    %jit3A_389 = arith.constant -1.000000e+00 : f32
    %broadcast_in_dim3A_390 = vector.broadcast %jit3A_389 : f32 to vector<70x128xf32>
    %select_n3A_391 = arith.select %lt3A_4, %div3A_388, %broadcast_in_dim3A_390 : vector<70x128xi1>, vector<70x128xf32>
    %gt3A_392 = arith.cmpf ogt, %select_n3A_391, %select_n3A_333 : vector<70x128xf32>
    %jit3A_393 = arith.constant 5 : i32
    %broadcast_in_dim3A_394 = vector.broadcast %jit3A_393 : i32 to vector<70x128xi32>
    %select_n3A_395 = arith.select %gt3A_392, %broadcast_in_dim3A_394, %select_n3A_332 : vector<70x128xi1>, vector<70x128xi32>
    %select_n3A_396 = arith.select %gt3A_392, %select_n3A_391, %select_n3A_333 : vector<70x128xi1>, vector<70x128xf32>
    %reduce_max3A_397 = vector.shape_cast %select_n3A_391 : vector<70x128xf32> to vector<1x70x128xf32>
    %reduce_max3A_398 = arith.constant dense<0xFF800000> : vector<1xf32>
    %reduce_max3A_399 = vector.multi_reduction <maximumf>, %reduce_max3A_397, %reduce_max3A_398 [1, 2] : vector<1x70x128xf32> to vector<1xf32>
    %reduce_max3A_400 = vector.shape_cast %reduce_max3A_399 : vector<1xf32> to vector<1x1x1xf32>
    %reduce_max3A_401 = vector.extract %reduce_max3A_400[0, 0, 0] : f32 from vector<1x1x1xf32>
    %eq3A_402 = vector.broadcast %reduce_max3A_401 : f32 to vector<70x128xf32>
    %eq3A_403 = arith.cmpf oeq, %select_n3A_391, %eq3A_402 : vector<70x128xf32>
    %jit3A_404 = arith.constant 8960 : i32
    %broadcast_in_dim3A_405 = vector.broadcast %jit3A_404 : i32 to vector<70x128xi32>
    %select_n3A_406 = arith.select %eq3A_403, %add3A, %broadcast_in_dim3A_405 : vector<70x128xi1>, vector<70x128xi32>
    %reduce_min3A_407 = vector.shape_cast %select_n3A_406 : vector<70x128xi32> to vector<1x70x128xi32>
    %reduce_min3A_408 = arith.constant dense<2147483647> : vector<1xi32>
    %reduce_min3A_409 = vector.multi_reduction <minsi>, %reduce_min3A_407, %reduce_min3A_408 [1, 2] : vector<1x70x128xi32> to vector<1xi32>
    %reduce_min3A_410 = vector.shape_cast %reduce_min3A_409 : vector<1xi32> to vector<1x1x1xi32>
    %reduce_min3A_411 = vector.extract %reduce_min3A_410[0, 0, 0] : i32 from vector<1x1x1xi32>
    %get3A_412 = arith.constant 0 : index
    %get3A_413 = arith.constant 6 : index
    %get3A_414 = arith.constant 0 : index
    %get3A_415 = memref.load %arg1[%get3A_412, %get3A_413, %get3A_414] : memref<1x12x5xf32, #tpu.memory_space<smem>>
    %get3A_416 = arith.constant 0 : index
    %get3A_417 = arith.constant 6 : index
    %get3A_418 = arith.constant 1 : index
    %get3A_419 = memref.load %arg1[%get3A_416, %get3A_417, %get3A_418] : memref<1x12x5xf32, #tpu.memory_space<smem>>
    %get3A_420 = arith.constant 0 : index
    %get3A_421 = arith.constant 6 : index
    %get3A_422 = arith.constant 2 : index
    %get3A_423 = memref.load %arg1[%get3A_420, %get3A_421, %get3A_422] : memref<1x12x5xf32, #tpu.memory_space<smem>>
    %get3A_424 = arith.constant 0 : index
    %get3A_425 = arith.constant 6 : index
    %get3A_426 = arith.constant 3 : index
    %get3A_427 = memref.load %arg1[%get3A_424, %get3A_425, %get3A_426] : memref<1x12x5xf32, #tpu.memory_space<smem>>
    %min3A_428 = vector.broadcast %get3A_423 : f32 to vector<70x128xf32>
    %min3A_429 = arith.minimumf %add3A_34, %min3A_428 : vector<70x128xf32>
    %max3A_430 = vector.broadcast %get3A_415 : f32 to vector<70x128xf32>
    %max3A_431 = arith.maximumf %sub3A, %max3A_430 : vector<70x128xf32>
    %sub3A_432 = arith.subf %min3A_429, %max3A_431 : vector<70x128xf32>
    %max3A_433 = arith.constant 0.000000e+00 : f32
    %max3A_434 = vector.broadcast %max3A_433 : f32 to vector<70x128xf32>
    %max3A_435 = arith.maximumf %sub3A_432, %max3A_434 : vector<70x128xf32>
    %min3A_436 = vector.broadcast %get3A_427 : f32 to vector<70x128xf32>
    %min3A_437 = arith.minimumf %add3A_38, %min3A_436 : vector<70x128xf32>
    %max3A_438 = vector.broadcast %get3A_419 : f32 to vector<70x128xf32>
    %max3A_439 = arith.maximumf %sub3A_30, %max3A_438 : vector<70x128xf32>
    %sub3A_440 = arith.subf %min3A_437, %max3A_439 : vector<70x128xf32>
    %max3A_441 = arith.constant 0.000000e+00 : f32
    %max3A_442 = vector.broadcast %max3A_441 : f32 to vector<70x128xf32>
    %max3A_443 = arith.maximumf %sub3A_440, %max3A_442 : vector<70x128xf32>
    %mul3A_444 = arith.mulf %max3A_435, %max3A_443 : vector<70x128xf32>
    %sub3A_445 = arith.subf %get3A_423, %get3A_415 : f32
    %sub3A_446 = arith.subf %get3A_427, %get3A_419 : f32
    %mul3A_447 = arith.mulf %sub3A_445, %sub3A_446 : f32
    %add3A_448 = vector.broadcast %mul3A_447 : f32 to vector<70x128xf32>
    %add3A_449 = arith.addf %add3A_448, %mul3A_39 : vector<70x128xf32>
    %sub3A_450 = arith.subf %add3A_449, %mul3A_444 : vector<70x128xf32>
    %div3A_451 = arith.divf %mul3A_444, %sub3A_450 : vector<70x128xf32>
    %jit3A_452 = arith.constant -1.000000e+00 : f32
    %broadcast_in_dim3A_453 = vector.broadcast %jit3A_452 : f32 to vector<70x128xf32>
    %select_n3A_454 = arith.select %lt3A_4, %div3A_451, %broadcast_in_dim3A_453 : vector<70x128xi1>, vector<70x128xf32>
    %gt3A_455 = arith.cmpf ogt, %select_n3A_454, %select_n3A_396 : vector<70x128xf32>
    %jit3A_456 = arith.constant 6 : i32
    %broadcast_in_dim3A_457 = vector.broadcast %jit3A_456 : i32 to vector<70x128xi32>
    %select_n3A_458 = arith.select %gt3A_455, %broadcast_in_dim3A_457, %select_n3A_395 : vector<70x128xi1>, vector<70x128xi32>
    %select_n3A_459 = arith.select %gt3A_455, %select_n3A_454, %select_n3A_396 : vector<70x128xi1>, vector<70x128xf32>
    %reduce_max3A_460 = vector.shape_cast %select_n3A_454 : vector<70x128xf32> to vector<1x70x128xf32>
    %reduce_max3A_461 = arith.constant dense<0xFF800000> : vector<1xf32>
    %reduce_max3A_462 = vector.multi_reduction <maximumf>, %reduce_max3A_460, %reduce_max3A_461 [1, 2] : vector<1x70x128xf32> to vector<1xf32>
    %reduce_max3A_463 = vector.shape_cast %reduce_max3A_462 : vector<1xf32> to vector<1x1x1xf32>
    %reduce_max3A_464 = vector.extract %reduce_max3A_463[0, 0, 0] : f32 from vector<1x1x1xf32>
    %eq3A_465 = vector.broadcast %reduce_max3A_464 : f32 to vector<70x128xf32>
    %eq3A_466 = arith.cmpf oeq, %select_n3A_454, %eq3A_465 : vector<70x128xf32>
    %jit3A_467 = arith.constant 8960 : i32
    %broadcast_in_dim3A_468 = vector.broadcast %jit3A_467 : i32 to vector<70x128xi32>
    %select_n3A_469 = arith.select %eq3A_466, %add3A, %broadcast_in_dim3A_468 : vector<70x128xi1>, vector<70x128xi32>
    %reduce_min3A_470 = vector.shape_cast %select_n3A_469 : vector<70x128xi32> to vector<1x70x128xi32>
    %reduce_min3A_471 = arith.constant dense<2147483647> : vector<1xi32>
    %reduce_min3A_472 = vector.multi_reduction <minsi>, %reduce_min3A_470, %reduce_min3A_471 [1, 2] : vector<1x70x128xi32> to vector<1xi32>
    %reduce_min3A_473 = vector.shape_cast %reduce_min3A_472 : vector<1xi32> to vector<1x1x1xi32>
    %reduce_min3A_474 = vector.extract %reduce_min3A_473[0, 0, 0] : i32 from vector<1x1x1xi32>
    %get3A_475 = arith.constant 0 : index
    %get3A_476 = arith.constant 7 : index
    %get3A_477 = arith.constant 0 : index
    %get3A_478 = memref.load %arg1[%get3A_475, %get3A_476, %get3A_477] : memref<1x12x5xf32, #tpu.memory_space<smem>>
    %get3A_479 = arith.constant 0 : index
    %get3A_480 = arith.constant 7 : index
    %get3A_481 = arith.constant 1 : index
    %get3A_482 = memref.load %arg1[%get3A_479, %get3A_480, %get3A_481] : memref<1x12x5xf32, #tpu.memory_space<smem>>
    %get3A_483 = arith.constant 0 : index
    %get3A_484 = arith.constant 7 : index
    %get3A_485 = arith.constant 2 : index
    %get3A_486 = memref.load %arg1[%get3A_483, %get3A_484, %get3A_485] : memref<1x12x5xf32, #tpu.memory_space<smem>>
    %get3A_487 = arith.constant 0 : index
    %get3A_488 = arith.constant 7 : index
    %get3A_489 = arith.constant 3 : index
    %get3A_490 = memref.load %arg1[%get3A_487, %get3A_488, %get3A_489] : memref<1x12x5xf32, #tpu.memory_space<smem>>
    %min3A_491 = vector.broadcast %get3A_486 : f32 to vector<70x128xf32>
    %min3A_492 = arith.minimumf %add3A_34, %min3A_491 : vector<70x128xf32>
    %max3A_493 = vector.broadcast %get3A_478 : f32 to vector<70x128xf32>
    %max3A_494 = arith.maximumf %sub3A, %max3A_493 : vector<70x128xf32>
    %sub3A_495 = arith.subf %min3A_492, %max3A_494 : vector<70x128xf32>
    %max3A_496 = arith.constant 0.000000e+00 : f32
    %max3A_497 = vector.broadcast %max3A_496 : f32 to vector<70x128xf32>
    %max3A_498 = arith.maximumf %sub3A_495, %max3A_497 : vector<70x128xf32>
    %min3A_499 = vector.broadcast %get3A_490 : f32 to vector<70x128xf32>
    %min3A_500 = arith.minimumf %add3A_38, %min3A_499 : vector<70x128xf32>
    %max3A_501 = vector.broadcast %get3A_482 : f32 to vector<70x128xf32>
    %max3A_502 = arith.maximumf %sub3A_30, %max3A_501 : vector<70x128xf32>
    %sub3A_503 = arith.subf %min3A_500, %max3A_502 : vector<70x128xf32>
    %max3A_504 = arith.constant 0.000000e+00 : f32
    %max3A_505 = vector.broadcast %max3A_504 : f32 to vector<70x128xf32>
    %max3A_506 = arith.maximumf %sub3A_503, %max3A_505 : vector<70x128xf32>
    %mul3A_507 = arith.mulf %max3A_498, %max3A_506 : vector<70x128xf32>
    %sub3A_508 = arith.subf %get3A_486, %get3A_478 : f32
    %sub3A_509 = arith.subf %get3A_490, %get3A_482 : f32
    %mul3A_510 = arith.mulf %sub3A_508, %sub3A_509 : f32
    %add3A_511 = vector.broadcast %mul3A_510 : f32 to vector<70x128xf32>
    %add3A_512 = arith.addf %add3A_511, %mul3A_39 : vector<70x128xf32>
    %sub3A_513 = arith.subf %add3A_512, %mul3A_507 : vector<70x128xf32>
    %div3A_514 = arith.divf %mul3A_507, %sub3A_513 : vector<70x128xf32>
    %jit3A_515 = arith.constant -1.000000e+00 : f32
    %broadcast_in_dim3A_516 = vector.broadcast %jit3A_515 : f32 to vector<70x128xf32>
    %select_n3A_517 = arith.select %lt3A_4, %div3A_514, %broadcast_in_dim3A_516 : vector<70x128xi1>, vector<70x128xf32>
    %gt3A_518 = arith.cmpf ogt, %select_n3A_517, %select_n3A_459 : vector<70x128xf32>
    %jit3A_519 = arith.constant 7 : i32
    %broadcast_in_dim3A_520 = vector.broadcast %jit3A_519 : i32 to vector<70x128xi32>
    %select_n3A_521 = arith.select %gt3A_518, %broadcast_in_dim3A_520, %select_n3A_458 : vector<70x128xi1>, vector<70x128xi32>
    %select_n3A_522 = arith.select %gt3A_518, %select_n3A_517, %select_n3A_459 : vector<70x128xi1>, vector<70x128xf32>
    %reduce_max3A_523 = vector.shape_cast %select_n3A_517 : vector<70x128xf32> to vector<1x70x128xf32>
    %reduce_max3A_524 = arith.constant dense<0xFF800000> : vector<1xf32>
    %reduce_max3A_525 = vector.multi_reduction <maximumf>, %reduce_max3A_523, %reduce_max3A_524 [1, 2] : vector<1x70x128xf32> to vector<1xf32>
    %reduce_max3A_526 = vector.shape_cast %reduce_max3A_525 : vector<1xf32> to vector<1x1x1xf32>
    %reduce_max3A_527 = vector.extract %reduce_max3A_526[0, 0, 0] : f32 from vector<1x1x1xf32>
    %eq3A_528 = vector.broadcast %reduce_max3A_527 : f32 to vector<70x128xf32>
    %eq3A_529 = arith.cmpf oeq, %select_n3A_517, %eq3A_528 : vector<70x128xf32>
    %jit3A_530 = arith.constant 8960 : i32
    %broadcast_in_dim3A_531 = vector.broadcast %jit3A_530 : i32 to vector<70x128xi32>
    %select_n3A_532 = arith.select %eq3A_529, %add3A, %broadcast_in_dim3A_531 : vector<70x128xi1>, vector<70x128xi32>
    %reduce_min3A_533 = vector.shape_cast %select_n3A_532 : vector<70x128xi32> to vector<1x70x128xi32>
    %reduce_min3A_534 = arith.constant dense<2147483647> : vector<1xi32>
    %reduce_min3A_535 = vector.multi_reduction <minsi>, %reduce_min3A_533, %reduce_min3A_534 [1, 2] : vector<1x70x128xi32> to vector<1xi32>
    %reduce_min3A_536 = vector.shape_cast %reduce_min3A_535 : vector<1xi32> to vector<1x1x1xi32>
    %reduce_min3A_537 = vector.extract %reduce_min3A_536[0, 0, 0] : i32 from vector<1x1x1xi32>
    %get3A_538 = arith.constant 0 : index
    %get3A_539 = arith.constant 8 : index
    %get3A_540 = arith.constant 0 : index
    %get3A_541 = memref.load %arg1[%get3A_538, %get3A_539, %get3A_540] : memref<1x12x5xf32, #tpu.memory_space<smem>>
    %get3A_542 = arith.constant 0 : index
    %get3A_543 = arith.constant 8 : index
    %get3A_544 = arith.constant 1 : index
    %get3A_545 = memref.load %arg1[%get3A_542, %get3A_543, %get3A_544] : memref<1x12x5xf32, #tpu.memory_space<smem>>
    %get3A_546 = arith.constant 0 : index
    %get3A_547 = arith.constant 8 : index
    %get3A_548 = arith.constant 2 : index
    %get3A_549 = memref.load %arg1[%get3A_546, %get3A_547, %get3A_548] : memref<1x12x5xf32, #tpu.memory_space<smem>>
    %get3A_550 = arith.constant 0 : index
    %get3A_551 = arith.constant 8 : index
    %get3A_552 = arith.constant 3 : index
    %get3A_553 = memref.load %arg1[%get3A_550, %get3A_551, %get3A_552] : memref<1x12x5xf32, #tpu.memory_space<smem>>
    %min3A_554 = vector.broadcast %get3A_549 : f32 to vector<70x128xf32>
    %min3A_555 = arith.minimumf %add3A_34, %min3A_554 : vector<70x128xf32>
    %max3A_556 = vector.broadcast %get3A_541 : f32 to vector<70x128xf32>
    %max3A_557 = arith.maximumf %sub3A, %max3A_556 : vector<70x128xf32>
    %sub3A_558 = arith.subf %min3A_555, %max3A_557 : vector<70x128xf32>
    %max3A_559 = arith.constant 0.000000e+00 : f32
    %max3A_560 = vector.broadcast %max3A_559 : f32 to vector<70x128xf32>
    %max3A_561 = arith.maximumf %sub3A_558, %max3A_560 : vector<70x128xf32>
    %min3A_562 = vector.broadcast %get3A_553 : f32 to vector<70x128xf32>
    %min3A_563 = arith.minimumf %add3A_38, %min3A_562 : vector<70x128xf32>
    %max3A_564 = vector.broadcast %get3A_545 : f32 to vector<70x128xf32>
    %max3A_565 = arith.maximumf %sub3A_30, %max3A_564 : vector<70x128xf32>
    %sub3A_566 = arith.subf %min3A_563, %max3A_565 : vector<70x128xf32>
    %max3A_567 = arith.constant 0.000000e+00 : f32
    %max3A_568 = vector.broadcast %max3A_567 : f32 to vector<70x128xf32>
    %max3A_569 = arith.maximumf %sub3A_566, %max3A_568 : vector<70x128xf32>
    %mul3A_570 = arith.mulf %max3A_561, %max3A_569 : vector<70x128xf32>
    %sub3A_571 = arith.subf %get3A_549, %get3A_541 : f32
    %sub3A_572 = arith.subf %get3A_553, %get3A_545 : f32
    %mul3A_573 = arith.mulf %sub3A_571, %sub3A_572 : f32
    %add3A_574 = vector.broadcast %mul3A_573 : f32 to vector<70x128xf32>
    %add3A_575 = arith.addf %add3A_574, %mul3A_39 : vector<70x128xf32>
    %sub3A_576 = arith.subf %add3A_575, %mul3A_570 : vector<70x128xf32>
    %div3A_577 = arith.divf %mul3A_570, %sub3A_576 : vector<70x128xf32>
    %jit3A_578 = arith.constant -1.000000e+00 : f32
    %broadcast_in_dim3A_579 = vector.broadcast %jit3A_578 : f32 to vector<70x128xf32>
    %select_n3A_580 = arith.select %lt3A_4, %div3A_577, %broadcast_in_dim3A_579 : vector<70x128xi1>, vector<70x128xf32>
    %gt3A_581 = arith.cmpf ogt, %select_n3A_580, %select_n3A_522 : vector<70x128xf32>
    %jit3A_582 = arith.constant 8 : i32
    %broadcast_in_dim3A_583 = vector.broadcast %jit3A_582 : i32 to vector<70x128xi32>
    %select_n3A_584 = arith.select %gt3A_581, %broadcast_in_dim3A_583, %select_n3A_521 : vector<70x128xi1>, vector<70x128xi32>
    %select_n3A_585 = arith.select %gt3A_581, %select_n3A_580, %select_n3A_522 : vector<70x128xi1>, vector<70x128xf32>
    %reduce_max3A_586 = vector.shape_cast %select_n3A_580 : vector<70x128xf32> to vector<1x70x128xf32>
    %reduce_max3A_587 = arith.constant dense<0xFF800000> : vector<1xf32>
    %reduce_max3A_588 = vector.multi_reduction <maximumf>, %reduce_max3A_586, %reduce_max3A_587 [1, 2] : vector<1x70x128xf32> to vector<1xf32>
    %reduce_max3A_589 = vector.shape_cast %reduce_max3A_588 : vector<1xf32> to vector<1x1x1xf32>
    %reduce_max3A_590 = vector.extract %reduce_max3A_589[0, 0, 0] : f32 from vector<1x1x1xf32>
    %eq3A_591 = vector.broadcast %reduce_max3A_590 : f32 to vector<70x128xf32>
    %eq3A_592 = arith.cmpf oeq, %select_n3A_580, %eq3A_591 : vector<70x128xf32>
    %jit3A_593 = arith.constant 8960 : i32
    %broadcast_in_dim3A_594 = vector.broadcast %jit3A_593 : i32 to vector<70x128xi32>
    %select_n3A_595 = arith.select %eq3A_592, %add3A, %broadcast_in_dim3A_594 : vector<70x128xi1>, vector<70x128xi32>
    %reduce_min3A_596 = vector.shape_cast %select_n3A_595 : vector<70x128xi32> to vector<1x70x128xi32>
    %reduce_min3A_597 = arith.constant dense<2147483647> : vector<1xi32>
    %reduce_min3A_598 = vector.multi_reduction <minsi>, %reduce_min3A_596, %reduce_min3A_597 [1, 2] : vector<1x70x128xi32> to vector<1xi32>
    %reduce_min3A_599 = vector.shape_cast %reduce_min3A_598 : vector<1xi32> to vector<1x1x1xi32>
    %reduce_min3A_600 = vector.extract %reduce_min3A_599[0, 0, 0] : i32 from vector<1x1x1xi32>
    %get3A_601 = arith.constant 0 : index
    %get3A_602 = arith.constant 9 : index
    %get3A_603 = arith.constant 0 : index
    %get3A_604 = memref.load %arg1[%get3A_601, %get3A_602, %get3A_603] : memref<1x12x5xf32, #tpu.memory_space<smem>>
    %get3A_605 = arith.constant 0 : index
    %get3A_606 = arith.constant 9 : index
    %get3A_607 = arith.constant 1 : index
    %get3A_608 = memref.load %arg1[%get3A_605, %get3A_606, %get3A_607] : memref<1x12x5xf32, #tpu.memory_space<smem>>
    %get3A_609 = arith.constant 0 : index
    %get3A_610 = arith.constant 9 : index
    %get3A_611 = arith.constant 2 : index
    %get3A_612 = memref.load %arg1[%get3A_609, %get3A_610, %get3A_611] : memref<1x12x5xf32, #tpu.memory_space<smem>>
    %get3A_613 = arith.constant 0 : index
    %get3A_614 = arith.constant 9 : index
    %get3A_615 = arith.constant 3 : index
    %get3A_616 = memref.load %arg1[%get3A_613, %get3A_614, %get3A_615] : memref<1x12x5xf32, #tpu.memory_space<smem>>
    %min3A_617 = vector.broadcast %get3A_612 : f32 to vector<70x128xf32>
    %min3A_618 = arith.minimumf %add3A_34, %min3A_617 : vector<70x128xf32>
    %max3A_619 = vector.broadcast %get3A_604 : f32 to vector<70x128xf32>
    %max3A_620 = arith.maximumf %sub3A, %max3A_619 : vector<70x128xf32>
    %sub3A_621 = arith.subf %min3A_618, %max3A_620 : vector<70x128xf32>
    %max3A_622 = arith.constant 0.000000e+00 : f32
    %max3A_623 = vector.broadcast %max3A_622 : f32 to vector<70x128xf32>
    %max3A_624 = arith.maximumf %sub3A_621, %max3A_623 : vector<70x128xf32>
    %min3A_625 = vector.broadcast %get3A_616 : f32 to vector<70x128xf32>
    %min3A_626 = arith.minimumf %add3A_38, %min3A_625 : vector<70x128xf32>
    %max3A_627 = vector.broadcast %get3A_608 : f32 to vector<70x128xf32>
    %max3A_628 = arith.maximumf %sub3A_30, %max3A_627 : vector<70x128xf32>
    %sub3A_629 = arith.subf %min3A_626, %max3A_628 : vector<70x128xf32>
    %max3A_630 = arith.constant 0.000000e+00 : f32
    %max3A_631 = vector.broadcast %max3A_630 : f32 to vector<70x128xf32>
    %max3A_632 = arith.maximumf %sub3A_629, %max3A_631 : vector<70x128xf32>
    %mul3A_633 = arith.mulf %max3A_624, %max3A_632 : vector<70x128xf32>
    %sub3A_634 = arith.subf %get3A_612, %get3A_604 : f32
    %sub3A_635 = arith.subf %get3A_616, %get3A_608 : f32
    %mul3A_636 = arith.mulf %sub3A_634, %sub3A_635 : f32
    %add3A_637 = vector.broadcast %mul3A_636 : f32 to vector<70x128xf32>
    %add3A_638 = arith.addf %add3A_637, %mul3A_39 : vector<70x128xf32>
    %sub3A_639 = arith.subf %add3A_638, %mul3A_633 : vector<70x128xf32>
    %div3A_640 = arith.divf %mul3A_633, %sub3A_639 : vector<70x128xf32>
    %jit3A_641 = arith.constant -1.000000e+00 : f32
    %broadcast_in_dim3A_642 = vector.broadcast %jit3A_641 : f32 to vector<70x128xf32>
    %select_n3A_643 = arith.select %lt3A_4, %div3A_640, %broadcast_in_dim3A_642 : vector<70x128xi1>, vector<70x128xf32>
    %gt3A_644 = arith.cmpf ogt, %select_n3A_643, %select_n3A_585 : vector<70x128xf32>
    %jit3A_645 = arith.constant 9 : i32
    %broadcast_in_dim3A_646 = vector.broadcast %jit3A_645 : i32 to vector<70x128xi32>
    %select_n3A_647 = arith.select %gt3A_644, %broadcast_in_dim3A_646, %select_n3A_584 : vector<70x128xi1>, vector<70x128xi32>
    %select_n3A_648 = arith.select %gt3A_644, %select_n3A_643, %select_n3A_585 : vector<70x128xi1>, vector<70x128xf32>
    %reduce_max3A_649 = vector.shape_cast %select_n3A_643 : vector<70x128xf32> to vector<1x70x128xf32>
    %reduce_max3A_650 = arith.constant dense<0xFF800000> : vector<1xf32>
    %reduce_max3A_651 = vector.multi_reduction <maximumf>, %reduce_max3A_649, %reduce_max3A_650 [1, 2] : vector<1x70x128xf32> to vector<1xf32>
    %reduce_max3A_652 = vector.shape_cast %reduce_max3A_651 : vector<1xf32> to vector<1x1x1xf32>
    %reduce_max3A_653 = vector.extract %reduce_max3A_652[0, 0, 0] : f32 from vector<1x1x1xf32>
    %eq3A_654 = vector.broadcast %reduce_max3A_653 : f32 to vector<70x128xf32>
    %eq3A_655 = arith.cmpf oeq, %select_n3A_643, %eq3A_654 : vector<70x128xf32>
    %jit3A_656 = arith.constant 8960 : i32
    %broadcast_in_dim3A_657 = vector.broadcast %jit3A_656 : i32 to vector<70x128xi32>
    %select_n3A_658 = arith.select %eq3A_655, %add3A, %broadcast_in_dim3A_657 : vector<70x128xi1>, vector<70x128xi32>
    %reduce_min3A_659 = vector.shape_cast %select_n3A_658 : vector<70x128xi32> to vector<1x70x128xi32>
    %reduce_min3A_660 = arith.constant dense<2147483647> : vector<1xi32>
    %reduce_min3A_661 = vector.multi_reduction <minsi>, %reduce_min3A_659, %reduce_min3A_660 [1, 2] : vector<1x70x128xi32> to vector<1xi32>
    %reduce_min3A_662 = vector.shape_cast %reduce_min3A_661 : vector<1xi32> to vector<1x1x1xi32>
    %reduce_min3A_663 = vector.extract %reduce_min3A_662[0, 0, 0] : i32 from vector<1x1x1xi32>
    %get3A_664 = arith.constant 0 : index
    %get3A_665 = arith.constant 10 : index
    %get3A_666 = arith.constant 0 : index
    %get3A_667 = memref.load %arg1[%get3A_664, %get3A_665, %get3A_666] : memref<1x12x5xf32, #tpu.memory_space<smem>>
    %get3A_668 = arith.constant 0 : index
    %get3A_669 = arith.constant 10 : index
    %get3A_670 = arith.constant 1 : index
    %get3A_671 = memref.load %arg1[%get3A_668, %get3A_669, %get3A_670] : memref<1x12x5xf32, #tpu.memory_space<smem>>
    %get3A_672 = arith.constant 0 : index
    %get3A_673 = arith.constant 10 : index
    %get3A_674 = arith.constant 2 : index
    %get3A_675 = memref.load %arg1[%get3A_672, %get3A_673, %get3A_674] : memref<1x12x5xf32, #tpu.memory_space<smem>>
    %get3A_676 = arith.constant 0 : index
    %get3A_677 = arith.constant 10 : index
    %get3A_678 = arith.constant 3 : index
    %get3A_679 = memref.load %arg1[%get3A_676, %get3A_677, %get3A_678] : memref<1x12x5xf32, #tpu.memory_space<smem>>
    %min3A_680 = vector.broadcast %get3A_675 : f32 to vector<70x128xf32>
    %min3A_681 = arith.minimumf %add3A_34, %min3A_680 : vector<70x128xf32>
    %max3A_682 = vector.broadcast %get3A_667 : f32 to vector<70x128xf32>
    %max3A_683 = arith.maximumf %sub3A, %max3A_682 : vector<70x128xf32>
    %sub3A_684 = arith.subf %min3A_681, %max3A_683 : vector<70x128xf32>
    %max3A_685 = arith.constant 0.000000e+00 : f32
    %max3A_686 = vector.broadcast %max3A_685 : f32 to vector<70x128xf32>
    %max3A_687 = arith.maximumf %sub3A_684, %max3A_686 : vector<70x128xf32>
    %min3A_688 = vector.broadcast %get3A_679 : f32 to vector<70x128xf32>
    %min3A_689 = arith.minimumf %add3A_38, %min3A_688 : vector<70x128xf32>
    %max3A_690 = vector.broadcast %get3A_671 : f32 to vector<70x128xf32>
    %max3A_691 = arith.maximumf %sub3A_30, %max3A_690 : vector<70x128xf32>
    %sub3A_692 = arith.subf %min3A_689, %max3A_691 : vector<70x128xf32>
    %max3A_693 = arith.constant 0.000000e+00 : f32
    %max3A_694 = vector.broadcast %max3A_693 : f32 to vector<70x128xf32>
    %max3A_695 = arith.maximumf %sub3A_692, %max3A_694 : vector<70x128xf32>
    %mul3A_696 = arith.mulf %max3A_687, %max3A_695 : vector<70x128xf32>
    %sub3A_697 = arith.subf %get3A_675, %get3A_667 : f32
    %sub3A_698 = arith.subf %get3A_679, %get3A_671 : f32
    %mul3A_699 = arith.mulf %sub3A_697, %sub3A_698 : f32
    %add3A_700 = vector.broadcast %mul3A_699 : f32 to vector<70x128xf32>
    %add3A_701 = arith.addf %add3A_700, %mul3A_39 : vector<70x128xf32>
    %sub3A_702 = arith.subf %add3A_701, %mul3A_696 : vector<70x128xf32>
    %div3A_703 = arith.divf %mul3A_696, %sub3A_702 : vector<70x128xf32>
    %jit3A_704 = arith.constant -1.000000e+00 : f32
    %broadcast_in_dim3A_705 = vector.broadcast %jit3A_704 : f32 to vector<70x128xf32>
    %select_n3A_706 = arith.select %lt3A_4, %div3A_703, %broadcast_in_dim3A_705 : vector<70x128xi1>, vector<70x128xf32>
    %gt3A_707 = arith.cmpf ogt, %select_n3A_706, %select_n3A_648 : vector<70x128xf32>
    %jit3A_708 = arith.constant 10 : i32
    %broadcast_in_dim3A_709 = vector.broadcast %jit3A_708 : i32 to vector<70x128xi32>
    %select_n3A_710 = arith.select %gt3A_707, %broadcast_in_dim3A_709, %select_n3A_647 : vector<70x128xi1>, vector<70x128xi32>
    %select_n3A_711 = arith.select %gt3A_707, %select_n3A_706, %select_n3A_648 : vector<70x128xi1>, vector<70x128xf32>
    %reduce_max3A_712 = vector.shape_cast %select_n3A_706 : vector<70x128xf32> to vector<1x70x128xf32>
    %reduce_max3A_713 = arith.constant dense<0xFF800000> : vector<1xf32>
    %reduce_max3A_714 = vector.multi_reduction <maximumf>, %reduce_max3A_712, %reduce_max3A_713 [1, 2] : vector<1x70x128xf32> to vector<1xf32>
    %reduce_max3A_715 = vector.shape_cast %reduce_max3A_714 : vector<1xf32> to vector<1x1x1xf32>
    %reduce_max3A_716 = vector.extract %reduce_max3A_715[0, 0, 0] : f32 from vector<1x1x1xf32>
    %eq3A_717 = vector.broadcast %reduce_max3A_716 : f32 to vector<70x128xf32>
    %eq3A_718 = arith.cmpf oeq, %select_n3A_706, %eq3A_717 : vector<70x128xf32>
    %jit3A_719 = arith.constant 8960 : i32
    %broadcast_in_dim3A_720 = vector.broadcast %jit3A_719 : i32 to vector<70x128xi32>
    %select_n3A_721 = arith.select %eq3A_718, %add3A, %broadcast_in_dim3A_720 : vector<70x128xi1>, vector<70x128xi32>
    %reduce_min3A_722 = vector.shape_cast %select_n3A_721 : vector<70x128xi32> to vector<1x70x128xi32>
    %reduce_min3A_723 = arith.constant dense<2147483647> : vector<1xi32>
    %reduce_min3A_724 = vector.multi_reduction <minsi>, %reduce_min3A_722, %reduce_min3A_723 [1, 2] : vector<1x70x128xi32> to vector<1xi32>
    %reduce_min3A_725 = vector.shape_cast %reduce_min3A_724 : vector<1xi32> to vector<1x1x1xi32>
    %reduce_min3A_726 = vector.extract %reduce_min3A_725[0, 0, 0] : i32 from vector<1x1x1xi32>
    %get3A_727 = arith.constant 0 : index
    %get3A_728 = arith.constant 11 : index
    %get3A_729 = arith.constant 0 : index
    %get3A_730 = memref.load %arg1[%get3A_727, %get3A_728, %get3A_729] : memref<1x12x5xf32, #tpu.memory_space<smem>>
    %get3A_731 = arith.constant 0 : index
    %get3A_732 = arith.constant 11 : index
    %get3A_733 = arith.constant 1 : index
    %get3A_734 = memref.load %arg1[%get3A_731, %get3A_732, %get3A_733] : memref<1x12x5xf32, #tpu.memory_space<smem>>
    %get3A_735 = arith.constant 0 : index
    %get3A_736 = arith.constant 11 : index
    %get3A_737 = arith.constant 2 : index
    %get3A_738 = memref.load %arg1[%get3A_735, %get3A_736, %get3A_737] : memref<1x12x5xf32, #tpu.memory_space<smem>>
    %get3A_739 = arith.constant 0 : index
    %get3A_740 = arith.constant 11 : index
    %get3A_741 = arith.constant 3 : index
    %get3A_742 = memref.load %arg1[%get3A_739, %get3A_740, %get3A_741] : memref<1x12x5xf32, #tpu.memory_space<smem>>
    %min3A_743 = vector.broadcast %get3A_738 : f32 to vector<70x128xf32>
    %min3A_744 = arith.minimumf %add3A_34, %min3A_743 : vector<70x128xf32>
    %max3A_745 = vector.broadcast %get3A_730 : f32 to vector<70x128xf32>
    %max3A_746 = arith.maximumf %sub3A, %max3A_745 : vector<70x128xf32>
    %sub3A_747 = arith.subf %min3A_744, %max3A_746 : vector<70x128xf32>
    %max3A_748 = arith.constant 0.000000e+00 : f32
    %max3A_749 = vector.broadcast %max3A_748 : f32 to vector<70x128xf32>
    %max3A_750 = arith.maximumf %sub3A_747, %max3A_749 : vector<70x128xf32>
    %min3A_751 = vector.broadcast %get3A_742 : f32 to vector<70x128xf32>
    %min3A_752 = arith.minimumf %add3A_38, %min3A_751 : vector<70x128xf32>
    %max3A_753 = vector.broadcast %get3A_734 : f32 to vector<70x128xf32>
    %max3A_754 = arith.maximumf %sub3A_30, %max3A_753 : vector<70x128xf32>
    %sub3A_755 = arith.subf %min3A_752, %max3A_754 : vector<70x128xf32>
    %max3A_756 = arith.constant 0.000000e+00 : f32
    %max3A_757 = vector.broadcast %max3A_756 : f32 to vector<70x128xf32>
    %max3A_758 = arith.maximumf %sub3A_755, %max3A_757 : vector<70x128xf32>
    %mul3A_759 = arith.mulf %max3A_750, %max3A_758 : vector<70x128xf32>
    %sub3A_760 = arith.subf %get3A_738, %get3A_730 : f32
    %sub3A_761 = arith.subf %get3A_742, %get3A_734 : f32
    %mul3A_762 = arith.mulf %sub3A_760, %sub3A_761 : f32
    %add3A_763 = vector.broadcast %mul3A_762 : f32 to vector<70x128xf32>
    %add3A_764 = arith.addf %add3A_763, %mul3A_39 : vector<70x128xf32>
    %sub3A_765 = arith.subf %add3A_764, %mul3A_759 : vector<70x128xf32>
    %div3A_766 = arith.divf %mul3A_759, %sub3A_765 : vector<70x128xf32>
    %jit3A_767 = arith.constant -1.000000e+00 : f32
    %broadcast_in_dim3A_768 = vector.broadcast %jit3A_767 : f32 to vector<70x128xf32>
    %select_n3A_769 = arith.select %lt3A_4, %div3A_766, %broadcast_in_dim3A_768 : vector<70x128xi1>, vector<70x128xf32>
    %gt3A_770 = arith.cmpf ogt, %select_n3A_769, %select_n3A_711 : vector<70x128xf32>
    %jit3A_771 = arith.constant 11 : i32
    %broadcast_in_dim3A_772 = vector.broadcast %jit3A_771 : i32 to vector<70x128xi32>
    %select_n3A_773 = arith.select %gt3A_770, %broadcast_in_dim3A_772, %select_n3A_710 : vector<70x128xi1>, vector<70x128xi32>
    %select_n3A_774 = arith.select %gt3A_770, %select_n3A_769, %select_n3A_711 : vector<70x128xi1>, vector<70x128xf32>
    %reduce_max3A_775 = vector.shape_cast %select_n3A_769 : vector<70x128xf32> to vector<1x70x128xf32>
    %reduce_max3A_776 = arith.constant dense<0xFF800000> : vector<1xf32>
    %reduce_max3A_777 = vector.multi_reduction <maximumf>, %reduce_max3A_775, %reduce_max3A_776 [1, 2] : vector<1x70x128xf32> to vector<1xf32>
    %reduce_max3A_778 = vector.shape_cast %reduce_max3A_777 : vector<1xf32> to vector<1x1x1xf32>
    %reduce_max3A_779 = vector.extract %reduce_max3A_778[0, 0, 0] : f32 from vector<1x1x1xf32>
    %eq3A_780 = vector.broadcast %reduce_max3A_779 : f32 to vector<70x128xf32>
    %eq3A_781 = arith.cmpf oeq, %select_n3A_769, %eq3A_780 : vector<70x128xf32>
    %jit3A_782 = arith.constant 8960 : i32
    %broadcast_in_dim3A_783 = vector.broadcast %jit3A_782 : i32 to vector<70x128xi32>
    %select_n3A_784 = arith.select %eq3A_781, %add3A, %broadcast_in_dim3A_783 : vector<70x128xi1>, vector<70x128xi32>
    %reduce_min3A_785 = vector.shape_cast %select_n3A_784 : vector<70x128xi32> to vector<1x70x128xi32>
    %reduce_min3A_786 = arith.constant dense<2147483647> : vector<1xi32>
    %reduce_min3A_787 = vector.multi_reduction <minsi>, %reduce_min3A_785, %reduce_min3A_786 [1, 2] : vector<1x70x128xi32> to vector<1xi32>
    %reduce_min3A_788 = vector.shape_cast %reduce_min3A_787 : vector<1xi32> to vector<1x1x1xi32>
    %reduce_min3A_789 = vector.extract %reduce_min3A_788[0, 0, 0] : i32 from vector<1x1x1xi32>
    %eq3A_790 = vector.broadcast %reduce_min3A_96 : i32 to vector<70x128xi32>
    %eq3A_791 = arith.cmpi eq, %add3A, %eq3A_790 : vector<70x128xi32>
    %jit3A_792 = arith.constant 2.000000e+00 : f32
    %broadcast_in_dim3A_793 = vector.broadcast %jit3A_792 : f32 to vector<70x128xf32>
    %select_n3A_794 = arith.select %eq3A_791, %broadcast_in_dim3A_793, %select_n3A_774 : vector<70x128xi1>, vector<70x128xf32>
    %jit3A_795 = arith.constant 0 : i32
    %broadcast_in_dim3A_796 = vector.broadcast %jit3A_795 : i32 to vector<70x128xi32>
    %select_n3A_797 = arith.select %eq3A_791, %broadcast_in_dim3A_796, %select_n3A_773 : vector<70x128xi1>, vector<70x128xi32>
    %eq3A_798 = vector.broadcast %reduce_min3A_159 : i32 to vector<70x128xi32>
    %eq3A_799 = arith.cmpi eq, %add3A, %eq3A_798 : vector<70x128xi32>
    %jit3A_800 = arith.constant 2.000000e+00 : f32
    %broadcast_in_dim3A_801 = vector.broadcast %jit3A_800 : f32 to vector<70x128xf32>
    %select_n3A_802 = arith.select %eq3A_799, %broadcast_in_dim3A_801, %select_n3A_794 : vector<70x128xi1>, vector<70x128xf32>
    %jit3A_803 = arith.constant 1 : i32
    %broadcast_in_dim3A_804 = vector.broadcast %jit3A_803 : i32 to vector<70x128xi32>
    %select_n3A_805 = arith.select %eq3A_799, %broadcast_in_dim3A_804, %select_n3A_797 : vector<70x128xi1>, vector<70x128xi32>
    %eq3A_806 = vector.broadcast %reduce_min3A_222 : i32 to vector<70x128xi32>
    %eq3A_807 = arith.cmpi eq, %add3A, %eq3A_806 : vector<70x128xi32>
    %jit3A_808 = arith.constant 2.000000e+00 : f32
    %broadcast_in_dim3A_809 = vector.broadcast %jit3A_808 : f32 to vector<70x128xf32>
    %select_n3A_810 = arith.select %eq3A_807, %broadcast_in_dim3A_809, %select_n3A_802 : vector<70x128xi1>, vector<70x128xf32>
    %jit3A_811 = arith.constant 2 : i32
    %broadcast_in_dim3A_812 = vector.broadcast %jit3A_811 : i32 to vector<70x128xi32>
    %select_n3A_813 = arith.select %eq3A_807, %broadcast_in_dim3A_812, %select_n3A_805 : vector<70x128xi1>, vector<70x128xi32>
    %eq3A_814 = vector.broadcast %reduce_min3A_285 : i32 to vector<70x128xi32>
    %eq3A_815 = arith.cmpi eq, %add3A, %eq3A_814 : vector<70x128xi32>
    %jit3A_816 = arith.constant 2.000000e+00 : f32
    %broadcast_in_dim3A_817 = vector.broadcast %jit3A_816 : f32 to vector<70x128xf32>
    %select_n3A_818 = arith.select %eq3A_815, %broadcast_in_dim3A_817, %select_n3A_810 : vector<70x128xi1>, vector<70x128xf32>
    %jit3A_819 = arith.constant 3 : i32
    %broadcast_in_dim3A_820 = vector.broadcast %jit3A_819 : i32 to vector<70x128xi32>
    %select_n3A_821 = arith.select %eq3A_815, %broadcast_in_dim3A_820, %select_n3A_813 : vector<70x128xi1>, vector<70x128xi32>
    %eq3A_822 = vector.broadcast %reduce_min3A_348 : i32 to vector<70x128xi32>
    %eq3A_823 = arith.cmpi eq, %add3A, %eq3A_822 : vector<70x128xi32>
    %jit3A_824 = arith.constant 2.000000e+00 : f32
    %broadcast_in_dim3A_825 = vector.broadcast %jit3A_824 : f32 to vector<70x128xf32>
    %select_n3A_826 = arith.select %eq3A_823, %broadcast_in_dim3A_825, %select_n3A_818 : vector<70x128xi1>, vector<70x128xf32>
    %jit3A_827 = arith.constant 4 : i32
    %broadcast_in_dim3A_828 = vector.broadcast %jit3A_827 : i32 to vector<70x128xi32>
    %select_n3A_829 = arith.select %eq3A_823, %broadcast_in_dim3A_828, %select_n3A_821 : vector<70x128xi1>, vector<70x128xi32>
    %eq3A_830 = vector.broadcast %reduce_min3A_411 : i32 to vector<70x128xi32>
    %eq3A_831 = arith.cmpi eq, %add3A, %eq3A_830 : vector<70x128xi32>
    %jit3A_832 = arith.constant 2.000000e+00 : f32
    %broadcast_in_dim3A_833 = vector.broadcast %jit3A_832 : f32 to vector<70x128xf32>
    %select_n3A_834 = arith.select %eq3A_831, %broadcast_in_dim3A_833, %select_n3A_826 : vector<70x128xi1>, vector<70x128xf32>
    %jit3A_835 = arith.constant 5 : i32
    %broadcast_in_dim3A_836 = vector.broadcast %jit3A_835 : i32 to vector<70x128xi32>
    %select_n3A_837 = arith.select %eq3A_831, %broadcast_in_dim3A_836, %select_n3A_829 : vector<70x128xi1>, vector<70x128xi32>
    %eq3A_838 = vector.broadcast %reduce_min3A_474 : i32 to vector<70x128xi32>
    %eq3A_839 = arith.cmpi eq, %add3A, %eq3A_838 : vector<70x128xi32>
    %jit3A_840 = arith.constant 2.000000e+00 : f32
    %broadcast_in_dim3A_841 = vector.broadcast %jit3A_840 : f32 to vector<70x128xf32>
    %select_n3A_842 = arith.select %eq3A_839, %broadcast_in_dim3A_841, %select_n3A_834 : vector<70x128xi1>, vector<70x128xf32>
    %jit3A_843 = arith.constant 6 : i32
    %broadcast_in_dim3A_844 = vector.broadcast %jit3A_843 : i32 to vector<70x128xi32>
    %select_n3A_845 = arith.select %eq3A_839, %broadcast_in_dim3A_844, %select_n3A_837 : vector<70x128xi1>, vector<70x128xi32>
    %eq3A_846 = vector.broadcast %reduce_min3A_537 : i32 to vector<70x128xi32>
    %eq3A_847 = arith.cmpi eq, %add3A, %eq3A_846 : vector<70x128xi32>
    %jit3A_848 = arith.constant 2.000000e+00 : f32
    %broadcast_in_dim3A_849 = vector.broadcast %jit3A_848 : f32 to vector<70x128xf32>
    %select_n3A_850 = arith.select %eq3A_847, %broadcast_in_dim3A_849, %select_n3A_842 : vector<70x128xi1>, vector<70x128xf32>
    %jit3A_851 = arith.constant 7 : i32
    %broadcast_in_dim3A_852 = vector.broadcast %jit3A_851 : i32 to vector<70x128xi32>
    %select_n3A_853 = arith.select %eq3A_847, %broadcast_in_dim3A_852, %select_n3A_845 : vector<70x128xi1>, vector<70x128xi32>
    %eq3A_854 = vector.broadcast %reduce_min3A_600 : i32 to vector<70x128xi32>
    %eq3A_855 = arith.cmpi eq, %add3A, %eq3A_854 : vector<70x128xi32>
    %jit3A_856 = arith.constant 2.000000e+00 : f32
    %broadcast_in_dim3A_857 = vector.broadcast %jit3A_856 : f32 to vector<70x128xf32>
    %select_n3A_858 = arith.select %eq3A_855, %broadcast_in_dim3A_857, %select_n3A_850 : vector<70x128xi1>, vector<70x128xf32>
    %jit3A_859 = arith.constant 8 : i32
    %broadcast_in_dim3A_860 = vector.broadcast %jit3A_859 : i32 to vector<70x128xi32>
    %select_n3A_861 = arith.select %eq3A_855, %broadcast_in_dim3A_860, %select_n3A_853 : vector<70x128xi1>, vector<70x128xi32>
    %eq3A_862 = vector.broadcast %reduce_min3A_663 : i32 to vector<70x128xi32>
    %eq3A_863 = arith.cmpi eq, %add3A, %eq3A_862 : vector<70x128xi32>
    %jit3A_864 = arith.constant 2.000000e+00 : f32
    %broadcast_in_dim3A_865 = vector.broadcast %jit3A_864 : f32 to vector<70x128xf32>
    %select_n3A_866 = arith.select %eq3A_863, %broadcast_in_dim3A_865, %select_n3A_858 : vector<70x128xi1>, vector<70x128xf32>
    %jit3A_867 = arith.constant 9 : i32
    %broadcast_in_dim3A_868 = vector.broadcast %jit3A_867 : i32 to vector<70x128xi32>
    %select_n3A_869 = arith.select %eq3A_863, %broadcast_in_dim3A_868, %select_n3A_861 : vector<70x128xi1>, vector<70x128xi32>
    %eq3A_870 = vector.broadcast %reduce_min3A_726 : i32 to vector<70x128xi32>
    %eq3A_871 = arith.cmpi eq, %add3A, %eq3A_870 : vector<70x128xi32>
    %jit3A_872 = arith.constant 2.000000e+00 : f32
    %broadcast_in_dim3A_873 = vector.broadcast %jit3A_872 : f32 to vector<70x128xf32>
    %select_n3A_874 = arith.select %eq3A_871, %broadcast_in_dim3A_873, %select_n3A_866 : vector<70x128xi1>, vector<70x128xf32>
    %jit3A_875 = arith.constant 10 : i32
    %broadcast_in_dim3A_876 = vector.broadcast %jit3A_875 : i32 to vector<70x128xi32>
    %select_n3A_877 = arith.select %eq3A_871, %broadcast_in_dim3A_876, %select_n3A_869 : vector<70x128xi1>, vector<70x128xi32>
    %eq3A_878 = vector.broadcast %reduce_min3A_789 : i32 to vector<70x128xi32>
    %eq3A_879 = arith.cmpi eq, %add3A, %eq3A_878 : vector<70x128xi32>
    %jit3A_880 = arith.constant 2.000000e+00 : f32
    %broadcast_in_dim3A_881 = vector.broadcast %jit3A_880 : f32 to vector<70x128xf32>
    %select_n3A_882 = arith.select %eq3A_879, %broadcast_in_dim3A_881, %select_n3A_874 : vector<70x128xi1>, vector<70x128xf32>
    %jit3A_883 = arith.constant 11 : i32
    %broadcast_in_dim3A_884 = vector.broadcast %jit3A_883 : i32 to vector<70x128xi32>
    %select_n3A_885 = arith.select %eq3A_879, %broadcast_in_dim3A_884, %select_n3A_877 : vector<70x128xi1>, vector<70x128xi32>
    %broadcast_in_dim3A_886 = arith.constant 0.000000e+00 : f32
    %broadcast_in_dim3A_887 = vector.broadcast %broadcast_in_dim3A_886 : f32 to vector<70x128xf32>
    %broadcast_in_dim3A_888 = arith.constant 0.000000e+00 : f32
    %broadcast_in_dim3A_889 = vector.broadcast %broadcast_in_dim3A_888 : f32 to vector<70x128xf32>
    %broadcast_in_dim3A_890 = arith.constant 0.000000e+00 : f32
    %broadcast_in_dim3A_891 = vector.broadcast %broadcast_in_dim3A_890 : f32 to vector<70x128xf32>
    %broadcast_in_dim3A_892 = arith.constant 0.000000e+00 : f32
    %broadcast_in_dim3A_893 = vector.broadcast %broadcast_in_dim3A_892 : f32 to vector<70x128xf32>
    %broadcast_in_dim3A_894 = arith.constant 0.000000e+00 : f32
    %broadcast_in_dim3A_895 = vector.broadcast %broadcast_in_dim3A_894 : f32 to vector<70x128xf32>
    %eq3A_896 = arith.constant 0 : i32
    %eq3A_897 = vector.broadcast %eq3A_896 : i32 to vector<70x128xi32>
    %eq3A_898 = arith.cmpi eq, %select_n3A_885, %eq3A_897 : vector<70x128xi32>
    %get3A_899 = arith.constant 0 : index
    %get3A_900 = arith.constant 0 : index
    %get3A_901 = arith.constant 4 : index
    %get3A_902 = memref.load %arg1[%get3A_899, %get3A_900, %get3A_901] : memref<1x12x5xf32, #tpu.memory_space<smem>>
    %broadcast_in_dim3A_903 = vector.broadcast %get3A_902 : f32 to vector<70x128xf32>
    %select_n3A_904 = arith.select %eq3A_898, %broadcast_in_dim3A_903, %broadcast_in_dim3A_887 : vector<70x128xi1>, vector<70x128xf32>
    %get3A_905 = arith.constant 0 : index
    %get3A_906 = arith.constant 0 : index
    %get3A_907 = arith.constant 0 : index
    %get3A_908 = memref.load %arg1[%get3A_905, %get3A_906, %get3A_907] : memref<1x12x5xf32, #tpu.memory_space<smem>>
    %broadcast_in_dim3A_909 = vector.broadcast %get3A_908 : f32 to vector<70x128xf32>
    %select_n3A_910 = arith.select %eq3A_898, %broadcast_in_dim3A_909, %broadcast_in_dim3A_889 : vector<70x128xi1>, vector<70x128xf32>
    %get3A_911 = arith.constant 0 : index
    %get3A_912 = arith.constant 0 : index
    %get3A_913 = arith.constant 1 : index
    %get3A_914 = memref.load %arg1[%get3A_911, %get3A_912, %get3A_913] : memref<1x12x5xf32, #tpu.memory_space<smem>>
    %broadcast_in_dim3A_915 = vector.broadcast %get3A_914 : f32 to vector<70x128xf32>
    %select_n3A_916 = arith.select %eq3A_898, %broadcast_in_dim3A_915, %broadcast_in_dim3A_891 : vector<70x128xi1>, vector<70x128xf32>
    %get3A_917 = arith.constant 0 : index
    %get3A_918 = arith.constant 0 : index
    %get3A_919 = arith.constant 2 : index
    %get3A_920 = memref.load %arg1[%get3A_917, %get3A_918, %get3A_919] : memref<1x12x5xf32, #tpu.memory_space<smem>>
    %broadcast_in_dim3A_921 = vector.broadcast %get3A_920 : f32 to vector<70x128xf32>
    %select_n3A_922 = arith.select %eq3A_898, %broadcast_in_dim3A_921, %broadcast_in_dim3A_893 : vector<70x128xi1>, vector<70x128xf32>
    %get3A_923 = arith.constant 0 : index
    %get3A_924 = arith.constant 0 : index
    %get3A_925 = arith.constant 3 : index
    %get3A_926 = memref.load %arg1[%get3A_923, %get3A_924, %get3A_925] : memref<1x12x5xf32, #tpu.memory_space<smem>>
    %broadcast_in_dim3A_927 = vector.broadcast %get3A_926 : f32 to vector<70x128xf32>
    %select_n3A_928 = arith.select %eq3A_898, %broadcast_in_dim3A_927, %broadcast_in_dim3A_895 : vector<70x128xi1>, vector<70x128xf32>
    %eq3A_929 = arith.constant 1 : i32
    %eq3A_930 = vector.broadcast %eq3A_929 : i32 to vector<70x128xi32>
    %eq3A_931 = arith.cmpi eq, %select_n3A_885, %eq3A_930 : vector<70x128xi32>
    %get3A_932 = arith.constant 0 : index
    %get3A_933 = arith.constant 1 : index
    %get3A_934 = arith.constant 4 : index
    %get3A_935 = memref.load %arg1[%get3A_932, %get3A_933, %get3A_934] : memref<1x12x5xf32, #tpu.memory_space<smem>>
    %broadcast_in_dim3A_936 = vector.broadcast %get3A_935 : f32 to vector<70x128xf32>
    %select_n3A_937 = arith.select %eq3A_931, %broadcast_in_dim3A_936, %select_n3A_904 : vector<70x128xi1>, vector<70x128xf32>
    %get3A_938 = arith.constant 0 : index
    %get3A_939 = arith.constant 1 : index
    %get3A_940 = arith.constant 0 : index
    %get3A_941 = memref.load %arg1[%get3A_938, %get3A_939, %get3A_940] : memref<1x12x5xf32, #tpu.memory_space<smem>>
    %broadcast_in_dim3A_942 = vector.broadcast %get3A_941 : f32 to vector<70x128xf32>
    %select_n3A_943 = arith.select %eq3A_931, %broadcast_in_dim3A_942, %select_n3A_910 : vector<70x128xi1>, vector<70x128xf32>
    %get3A_944 = arith.constant 0 : index
    %get3A_945 = arith.constant 1 : index
    %get3A_946 = arith.constant 1 : index
    %get3A_947 = memref.load %arg1[%get3A_944, %get3A_945, %get3A_946] : memref<1x12x5xf32, #tpu.memory_space<smem>>
    %broadcast_in_dim3A_948 = vector.broadcast %get3A_947 : f32 to vector<70x128xf32>
    %select_n3A_949 = arith.select %eq3A_931, %broadcast_in_dim3A_948, %select_n3A_916 : vector<70x128xi1>, vector<70x128xf32>
    %get3A_950 = arith.constant 0 : index
    %get3A_951 = arith.constant 1 : index
    %get3A_952 = arith.constant 2 : index
    %get3A_953 = memref.load %arg1[%get3A_950, %get3A_951, %get3A_952] : memref<1x12x5xf32, #tpu.memory_space<smem>>
    %broadcast_in_dim3A_954 = vector.broadcast %get3A_953 : f32 to vector<70x128xf32>
    %select_n3A_955 = arith.select %eq3A_931, %broadcast_in_dim3A_954, %select_n3A_922 : vector<70x128xi1>, vector<70x128xf32>
    %get3A_956 = arith.constant 0 : index
    %get3A_957 = arith.constant 1 : index
    %get3A_958 = arith.constant 3 : index
    %get3A_959 = memref.load %arg1[%get3A_956, %get3A_957, %get3A_958] : memref<1x12x5xf32, #tpu.memory_space<smem>>
    %broadcast_in_dim3A_960 = vector.broadcast %get3A_959 : f32 to vector<70x128xf32>
    %select_n3A_961 = arith.select %eq3A_931, %broadcast_in_dim3A_960, %select_n3A_928 : vector<70x128xi1>, vector<70x128xf32>
    %eq3A_962 = arith.constant 2 : i32
    %eq3A_963 = vector.broadcast %eq3A_962 : i32 to vector<70x128xi32>
    %eq3A_964 = arith.cmpi eq, %select_n3A_885, %eq3A_963 : vector<70x128xi32>
    %get3A_965 = arith.constant 0 : index
    %get3A_966 = arith.constant 2 : index
    %get3A_967 = arith.constant 4 : index
    %get3A_968 = memref.load %arg1[%get3A_965, %get3A_966, %get3A_967] : memref<1x12x5xf32, #tpu.memory_space<smem>>
    %broadcast_in_dim3A_969 = vector.broadcast %get3A_968 : f32 to vector<70x128xf32>
    %select_n3A_970 = arith.select %eq3A_964, %broadcast_in_dim3A_969, %select_n3A_937 : vector<70x128xi1>, vector<70x128xf32>
    %get3A_971 = arith.constant 0 : index
    %get3A_972 = arith.constant 2 : index
    %get3A_973 = arith.constant 0 : index
    %get3A_974 = memref.load %arg1[%get3A_971, %get3A_972, %get3A_973] : memref<1x12x5xf32, #tpu.memory_space<smem>>
    %broadcast_in_dim3A_975 = vector.broadcast %get3A_974 : f32 to vector<70x128xf32>
    %select_n3A_976 = arith.select %eq3A_964, %broadcast_in_dim3A_975, %select_n3A_943 : vector<70x128xi1>, vector<70x128xf32>
    %get3A_977 = arith.constant 0 : index
    %get3A_978 = arith.constant 2 : index
    %get3A_979 = arith.constant 1 : index
    %get3A_980 = memref.load %arg1[%get3A_977, %get3A_978, %get3A_979] : memref<1x12x5xf32, #tpu.memory_space<smem>>
    %broadcast_in_dim3A_981 = vector.broadcast %get3A_980 : f32 to vector<70x128xf32>
    %select_n3A_982 = arith.select %eq3A_964, %broadcast_in_dim3A_981, %select_n3A_949 : vector<70x128xi1>, vector<70x128xf32>
    %get3A_983 = arith.constant 0 : index
    %get3A_984 = arith.constant 2 : index
    %get3A_985 = arith.constant 2 : index
    %get3A_986 = memref.load %arg1[%get3A_983, %get3A_984, %get3A_985] : memref<1x12x5xf32, #tpu.memory_space<smem>>
    %broadcast_in_dim3A_987 = vector.broadcast %get3A_986 : f32 to vector<70x128xf32>
    %select_n3A_988 = arith.select %eq3A_964, %broadcast_in_dim3A_987, %select_n3A_955 : vector<70x128xi1>, vector<70x128xf32>
    %get3A_989 = arith.constant 0 : index
    %get3A_990 = arith.constant 2 : index
    %get3A_991 = arith.constant 3 : index
    %get3A_992 = memref.load %arg1[%get3A_989, %get3A_990, %get3A_991] : memref<1x12x5xf32, #tpu.memory_space<smem>>
    %broadcast_in_dim3A_993 = vector.broadcast %get3A_992 : f32 to vector<70x128xf32>
    %select_n3A_994 = arith.select %eq3A_964, %broadcast_in_dim3A_993, %select_n3A_961 : vector<70x128xi1>, vector<70x128xf32>
    %eq3A_995 = arith.constant 3 : i32
    %eq3A_996 = vector.broadcast %eq3A_995 : i32 to vector<70x128xi32>
    %eq3A_997 = arith.cmpi eq, %select_n3A_885, %eq3A_996 : vector<70x128xi32>
    %get3A_998 = arith.constant 0 : index
    %get3A_999 = arith.constant 3 : index
    %get3A_1000 = arith.constant 4 : index
    %get3A_1001 = memref.load %arg1[%get3A_998, %get3A_999, %get3A_1000] : memref<1x12x5xf32, #tpu.memory_space<smem>>
    %broadcast_in_dim3A_1002 = vector.broadcast %get3A_1001 : f32 to vector<70x128xf32>
    %select_n3A_1003 = arith.select %eq3A_997, %broadcast_in_dim3A_1002, %select_n3A_970 : vector<70x128xi1>, vector<70x128xf32>
    %get3A_1004 = arith.constant 0 : index
    %get3A_1005 = arith.constant 3 : index
    %get3A_1006 = arith.constant 0 : index
    %get3A_1007 = memref.load %arg1[%get3A_1004, %get3A_1005, %get3A_1006] : memref<1x12x5xf32, #tpu.memory_space<smem>>
    %broadcast_in_dim3A_1008 = vector.broadcast %get3A_1007 : f32 to vector<70x128xf32>
    %select_n3A_1009 = arith.select %eq3A_997, %broadcast_in_dim3A_1008, %select_n3A_976 : vector<70x128xi1>, vector<70x128xf32>
    %get3A_1010 = arith.constant 0 : index
    %get3A_1011 = arith.constant 3 : index
    %get3A_1012 = arith.constant 1 : index
    %get3A_1013 = memref.load %arg1[%get3A_1010, %get3A_1011, %get3A_1012] : memref<1x12x5xf32, #tpu.memory_space<smem>>
    %broadcast_in_dim3A_1014 = vector.broadcast %get3A_1013 : f32 to vector<70x128xf32>
    %select_n3A_1015 = arith.select %eq3A_997, %broadcast_in_dim3A_1014, %select_n3A_982 : vector<70x128xi1>, vector<70x128xf32>
    %get3A_1016 = arith.constant 0 : index
    %get3A_1017 = arith.constant 3 : index
    %get3A_1018 = arith.constant 2 : index
    %get3A_1019 = memref.load %arg1[%get3A_1016, %get3A_1017, %get3A_1018] : memref<1x12x5xf32, #tpu.memory_space<smem>>
    %broadcast_in_dim3A_1020 = vector.broadcast %get3A_1019 : f32 to vector<70x128xf32>
    %select_n3A_1021 = arith.select %eq3A_997, %broadcast_in_dim3A_1020, %select_n3A_988 : vector<70x128xi1>, vector<70x128xf32>
    %get3A_1022 = arith.constant 0 : index
    %get3A_1023 = arith.constant 3 : index
    %get3A_1024 = arith.constant 3 : index
    %get3A_1025 = memref.load %arg1[%get3A_1022, %get3A_1023, %get3A_1024] : memref<1x12x5xf32, #tpu.memory_space<smem>>
    %broadcast_in_dim3A_1026 = vector.broadcast %get3A_1025 : f32 to vector<70x128xf32>
    %select_n3A_1027 = arith.select %eq3A_997, %broadcast_in_dim3A_1026, %select_n3A_994 : vector<70x128xi1>, vector<70x128xf32>
    %eq3A_1028 = arith.constant 4 : i32
    %eq3A_1029 = vector.broadcast %eq3A_1028 : i32 to vector<70x128xi32>
    %eq3A_1030 = arith.cmpi eq, %select_n3A_885, %eq3A_1029 : vector<70x128xi32>
    %get3A_1031 = arith.constant 0 : index
    %get3A_1032 = arith.constant 4 : index
    %get3A_1033 = arith.constant 4 : index
    %get3A_1034 = memref.load %arg1[%get3A_1031, %get3A_1032, %get3A_1033] : memref<1x12x5xf32, #tpu.memory_space<smem>>
    %broadcast_in_dim3A_1035 = vector.broadcast %get3A_1034 : f32 to vector<70x128xf32>
    %select_n3A_1036 = arith.select %eq3A_1030, %broadcast_in_dim3A_1035, %select_n3A_1003 : vector<70x128xi1>, vector<70x128xf32>
    %get3A_1037 = arith.constant 0 : index
    %get3A_1038 = arith.constant 4 : index
    %get3A_1039 = arith.constant 0 : index
    %get3A_1040 = memref.load %arg1[%get3A_1037, %get3A_1038, %get3A_1039] : memref<1x12x5xf32, #tpu.memory_space<smem>>
    %broadcast_in_dim3A_1041 = vector.broadcast %get3A_1040 : f32 to vector<70x128xf32>
    %select_n3A_1042 = arith.select %eq3A_1030, %broadcast_in_dim3A_1041, %select_n3A_1009 : vector<70x128xi1>, vector<70x128xf32>
    %get3A_1043 = arith.constant 0 : index
    %get3A_1044 = arith.constant 4 : index
    %get3A_1045 = arith.constant 1 : index
    %get3A_1046 = memref.load %arg1[%get3A_1043, %get3A_1044, %get3A_1045] : memref<1x12x5xf32, #tpu.memory_space<smem>>
    %broadcast_in_dim3A_1047 = vector.broadcast %get3A_1046 : f32 to vector<70x128xf32>
    %select_n3A_1048 = arith.select %eq3A_1030, %broadcast_in_dim3A_1047, %select_n3A_1015 : vector<70x128xi1>, vector<70x128xf32>
    %get3A_1049 = arith.constant 0 : index
    %get3A_1050 = arith.constant 4 : index
    %get3A_1051 = arith.constant 2 : index
    %get3A_1052 = memref.load %arg1[%get3A_1049, %get3A_1050, %get3A_1051] : memref<1x12x5xf32, #tpu.memory_space<smem>>
    %broadcast_in_dim3A_1053 = vector.broadcast %get3A_1052 : f32 to vector<70x128xf32>
    %select_n3A_1054 = arith.select %eq3A_1030, %broadcast_in_dim3A_1053, %select_n3A_1021 : vector<70x128xi1>, vector<70x128xf32>
    %get3A_1055 = arith.constant 0 : index
    %get3A_1056 = arith.constant 4 : index
    %get3A_1057 = arith.constant 3 : index
    %get3A_1058 = memref.load %arg1[%get3A_1055, %get3A_1056, %get3A_1057] : memref<1x12x5xf32, #tpu.memory_space<smem>>
    %broadcast_in_dim3A_1059 = vector.broadcast %get3A_1058 : f32 to vector<70x128xf32>
    %select_n3A_1060 = arith.select %eq3A_1030, %broadcast_in_dim3A_1059, %select_n3A_1027 : vector<70x128xi1>, vector<70x128xf32>
    %eq3A_1061 = arith.constant 5 : i32
    %eq3A_1062 = vector.broadcast %eq3A_1061 : i32 to vector<70x128xi32>
    %eq3A_1063 = arith.cmpi eq, %select_n3A_885, %eq3A_1062 : vector<70x128xi32>
    %get3A_1064 = arith.constant 0 : index
    %get3A_1065 = arith.constant 5 : index
    %get3A_1066 = arith.constant 4 : index
    %get3A_1067 = memref.load %arg1[%get3A_1064, %get3A_1065, %get3A_1066] : memref<1x12x5xf32, #tpu.memory_space<smem>>
    %broadcast_in_dim3A_1068 = vector.broadcast %get3A_1067 : f32 to vector<70x128xf32>
    %select_n3A_1069 = arith.select %eq3A_1063, %broadcast_in_dim3A_1068, %select_n3A_1036 : vector<70x128xi1>, vector<70x128xf32>
    %get3A_1070 = arith.constant 0 : index
    %get3A_1071 = arith.constant 5 : index
    %get3A_1072 = arith.constant 0 : index
    %get3A_1073 = memref.load %arg1[%get3A_1070, %get3A_1071, %get3A_1072] : memref<1x12x5xf32, #tpu.memory_space<smem>>
    %broadcast_in_dim3A_1074 = vector.broadcast %get3A_1073 : f32 to vector<70x128xf32>
    %select_n3A_1075 = arith.select %eq3A_1063, %broadcast_in_dim3A_1074, %select_n3A_1042 : vector<70x128xi1>, vector<70x128xf32>
    %get3A_1076 = arith.constant 0 : index
    %get3A_1077 = arith.constant 5 : index
    %get3A_1078 = arith.constant 1 : index
    %get3A_1079 = memref.load %arg1[%get3A_1076, %get3A_1077, %get3A_1078] : memref<1x12x5xf32, #tpu.memory_space<smem>>
    %broadcast_in_dim3A_1080 = vector.broadcast %get3A_1079 : f32 to vector<70x128xf32>
    %select_n3A_1081 = arith.select %eq3A_1063, %broadcast_in_dim3A_1080, %select_n3A_1048 : vector<70x128xi1>, vector<70x128xf32>
    %get3A_1082 = arith.constant 0 : index
    %get3A_1083 = arith.constant 5 : index
    %get3A_1084 = arith.constant 2 : index
    %get3A_1085 = memref.load %arg1[%get3A_1082, %get3A_1083, %get3A_1084] : memref<1x12x5xf32, #tpu.memory_space<smem>>
    %broadcast_in_dim3A_1086 = vector.broadcast %get3A_1085 : f32 to vector<70x128xf32>
    %select_n3A_1087 = arith.select %eq3A_1063, %broadcast_in_dim3A_1086, %select_n3A_1054 : vector<70x128xi1>, vector<70x128xf32>
    %get3A_1088 = arith.constant 0 : index
    %get3A_1089 = arith.constant 5 : index
    %get3A_1090 = arith.constant 3 : index
    %get3A_1091 = memref.load %arg1[%get3A_1088, %get3A_1089, %get3A_1090] : memref<1x12x5xf32, #tpu.memory_space<smem>>
    %broadcast_in_dim3A_1092 = vector.broadcast %get3A_1091 : f32 to vector<70x128xf32>
    %select_n3A_1093 = arith.select %eq3A_1063, %broadcast_in_dim3A_1092, %select_n3A_1060 : vector<70x128xi1>, vector<70x128xf32>
    %eq3A_1094 = arith.constant 6 : i32
    %eq3A_1095 = vector.broadcast %eq3A_1094 : i32 to vector<70x128xi32>
    %eq3A_1096 = arith.cmpi eq, %select_n3A_885, %eq3A_1095 : vector<70x128xi32>
    %get3A_1097 = arith.constant 0 : index
    %get3A_1098 = arith.constant 6 : index
    %get3A_1099 = arith.constant 4 : index
    %get3A_1100 = memref.load %arg1[%get3A_1097, %get3A_1098, %get3A_1099] : memref<1x12x5xf32, #tpu.memory_space<smem>>
    %broadcast_in_dim3A_1101 = vector.broadcast %get3A_1100 : f32 to vector<70x128xf32>
    %select_n3A_1102 = arith.select %eq3A_1096, %broadcast_in_dim3A_1101, %select_n3A_1069 : vector<70x128xi1>, vector<70x128xf32>
    %get3A_1103 = arith.constant 0 : index
    %get3A_1104 = arith.constant 6 : index
    %get3A_1105 = arith.constant 0 : index
    %get3A_1106 = memref.load %arg1[%get3A_1103, %get3A_1104, %get3A_1105] : memref<1x12x5xf32, #tpu.memory_space<smem>>
    %broadcast_in_dim3A_1107 = vector.broadcast %get3A_1106 : f32 to vector<70x128xf32>
    %select_n3A_1108 = arith.select %eq3A_1096, %broadcast_in_dim3A_1107, %select_n3A_1075 : vector<70x128xi1>, vector<70x128xf32>
    %get3A_1109 = arith.constant 0 : index
    %get3A_1110 = arith.constant 6 : index
    %get3A_1111 = arith.constant 1 : index
    %get3A_1112 = memref.load %arg1[%get3A_1109, %get3A_1110, %get3A_1111] : memref<1x12x5xf32, #tpu.memory_space<smem>>
    %broadcast_in_dim3A_1113 = vector.broadcast %get3A_1112 : f32 to vector<70x128xf32>
    %select_n3A_1114 = arith.select %eq3A_1096, %broadcast_in_dim3A_1113, %select_n3A_1081 : vector<70x128xi1>, vector<70x128xf32>
    %get3A_1115 = arith.constant 0 : index
    %get3A_1116 = arith.constant 6 : index
    %get3A_1117 = arith.constant 2 : index
    %get3A_1118 = memref.load %arg1[%get3A_1115, %get3A_1116, %get3A_1117] : memref<1x12x5xf32, #tpu.memory_space<smem>>
    %broadcast_in_dim3A_1119 = vector.broadcast %get3A_1118 : f32 to vector<70x128xf32>
    %select_n3A_1120 = arith.select %eq3A_1096, %broadcast_in_dim3A_1119, %select_n3A_1087 : vector<70x128xi1>, vector<70x128xf32>
    %get3A_1121 = arith.constant 0 : index
    %get3A_1122 = arith.constant 6 : index
    %get3A_1123 = arith.constant 3 : index
    %get3A_1124 = memref.load %arg1[%get3A_1121, %get3A_1122, %get3A_1123] : memref<1x12x5xf32, #tpu.memory_space<smem>>
    %broadcast_in_dim3A_1125 = vector.broadcast %get3A_1124 : f32 to vector<70x128xf32>
    %select_n3A_1126 = arith.select %eq3A_1096, %broadcast_in_dim3A_1125, %select_n3A_1093 : vector<70x128xi1>, vector<70x128xf32>
    %eq3A_1127 = arith.constant 7 : i32
    %eq3A_1128 = vector.broadcast %eq3A_1127 : i32 to vector<70x128xi32>
    %eq3A_1129 = arith.cmpi eq, %select_n3A_885, %eq3A_1128 : vector<70x128xi32>
    %get3A_1130 = arith.constant 0 : index
    %get3A_1131 = arith.constant 7 : index
    %get3A_1132 = arith.constant 4 : index
    %get3A_1133 = memref.load %arg1[%get3A_1130, %get3A_1131, %get3A_1132] : memref<1x12x5xf32, #tpu.memory_space<smem>>
    %broadcast_in_dim3A_1134 = vector.broadcast %get3A_1133 : f32 to vector<70x128xf32>
    %select_n3A_1135 = arith.select %eq3A_1129, %broadcast_in_dim3A_1134, %select_n3A_1102 : vector<70x128xi1>, vector<70x128xf32>
    %get3A_1136 = arith.constant 0 : index
    %get3A_1137 = arith.constant 7 : index
    %get3A_1138 = arith.constant 0 : index
    %get3A_1139 = memref.load %arg1[%get3A_1136, %get3A_1137, %get3A_1138] : memref<1x12x5xf32, #tpu.memory_space<smem>>
    %broadcast_in_dim3A_1140 = vector.broadcast %get3A_1139 : f32 to vector<70x128xf32>
    %select_n3A_1141 = arith.select %eq3A_1129, %broadcast_in_dim3A_1140, %select_n3A_1108 : vector<70x128xi1>, vector<70x128xf32>
    %get3A_1142 = arith.constant 0 : index
    %get3A_1143 = arith.constant 7 : index
    %get3A_1144 = arith.constant 1 : index
    %get3A_1145 = memref.load %arg1[%get3A_1142, %get3A_1143, %get3A_1144] : memref<1x12x5xf32, #tpu.memory_space<smem>>
    %broadcast_in_dim3A_1146 = vector.broadcast %get3A_1145 : f32 to vector<70x128xf32>
    %select_n3A_1147 = arith.select %eq3A_1129, %broadcast_in_dim3A_1146, %select_n3A_1114 : vector<70x128xi1>, vector<70x128xf32>
    %get3A_1148 = arith.constant 0 : index
    %get3A_1149 = arith.constant 7 : index
    %get3A_1150 = arith.constant 2 : index
    %get3A_1151 = memref.load %arg1[%get3A_1148, %get3A_1149, %get3A_1150] : memref<1x12x5xf32, #tpu.memory_space<smem>>
    %broadcast_in_dim3A_1152 = vector.broadcast %get3A_1151 : f32 to vector<70x128xf32>
    %select_n3A_1153 = arith.select %eq3A_1129, %broadcast_in_dim3A_1152, %select_n3A_1120 : vector<70x128xi1>, vector<70x128xf32>
    %get3A_1154 = arith.constant 0 : index
    %get3A_1155 = arith.constant 7 : index
    %get3A_1156 = arith.constant 3 : index
    %get3A_1157 = memref.load %arg1[%get3A_1154, %get3A_1155, %get3A_1156] : memref<1x12x5xf32, #tpu.memory_space<smem>>
    %broadcast_in_dim3A_1158 = vector.broadcast %get3A_1157 : f32 to vector<70x128xf32>
    %select_n3A_1159 = arith.select %eq3A_1129, %broadcast_in_dim3A_1158, %select_n3A_1126 : vector<70x128xi1>, vector<70x128xf32>
    %eq3A_1160 = arith.constant 8 : i32
    %eq3A_1161 = vector.broadcast %eq3A_1160 : i32 to vector<70x128xi32>
    %eq3A_1162 = arith.cmpi eq, %select_n3A_885, %eq3A_1161 : vector<70x128xi32>
    %get3A_1163 = arith.constant 0 : index
    %get3A_1164 = arith.constant 8 : index
    %get3A_1165 = arith.constant 4 : index
    %get3A_1166 = memref.load %arg1[%get3A_1163, %get3A_1164, %get3A_1165] : memref<1x12x5xf32, #tpu.memory_space<smem>>
    %broadcast_in_dim3A_1167 = vector.broadcast %get3A_1166 : f32 to vector<70x128xf32>
    %select_n3A_1168 = arith.select %eq3A_1162, %broadcast_in_dim3A_1167, %select_n3A_1135 : vector<70x128xi1>, vector<70x128xf32>
    %get3A_1169 = arith.constant 0 : index
    %get3A_1170 = arith.constant 8 : index
    %get3A_1171 = arith.constant 0 : index
    %get3A_1172 = memref.load %arg1[%get3A_1169, %get3A_1170, %get3A_1171] : memref<1x12x5xf32, #tpu.memory_space<smem>>
    %broadcast_in_dim3A_1173 = vector.broadcast %get3A_1172 : f32 to vector<70x128xf32>
    %select_n3A_1174 = arith.select %eq3A_1162, %broadcast_in_dim3A_1173, %select_n3A_1141 : vector<70x128xi1>, vector<70x128xf32>
    %get3A_1175 = arith.constant 0 : index
    %get3A_1176 = arith.constant 8 : index
    %get3A_1177 = arith.constant 1 : index
    %get3A_1178 = memref.load %arg1[%get3A_1175, %get3A_1176, %get3A_1177] : memref<1x12x5xf32, #tpu.memory_space<smem>>
    %broadcast_in_dim3A_1179 = vector.broadcast %get3A_1178 : f32 to vector<70x128xf32>
    %select_n3A_1180 = arith.select %eq3A_1162, %broadcast_in_dim3A_1179, %select_n3A_1147 : vector<70x128xi1>, vector<70x128xf32>
    %get3A_1181 = arith.constant 0 : index
    %get3A_1182 = arith.constant 8 : index
    %get3A_1183 = arith.constant 2 : index
    %get3A_1184 = memref.load %arg1[%get3A_1181, %get3A_1182, %get3A_1183] : memref<1x12x5xf32, #tpu.memory_space<smem>>
    %broadcast_in_dim3A_1185 = vector.broadcast %get3A_1184 : f32 to vector<70x128xf32>
    %select_n3A_1186 = arith.select %eq3A_1162, %broadcast_in_dim3A_1185, %select_n3A_1153 : vector<70x128xi1>, vector<70x128xf32>
    %get3A_1187 = arith.constant 0 : index
    %get3A_1188 = arith.constant 8 : index
    %get3A_1189 = arith.constant 3 : index
    %get3A_1190 = memref.load %arg1[%get3A_1187, %get3A_1188, %get3A_1189] : memref<1x12x5xf32, #tpu.memory_space<smem>>
    %broadcast_in_dim3A_1191 = vector.broadcast %get3A_1190 : f32 to vector<70x128xf32>
    %select_n3A_1192 = arith.select %eq3A_1162, %broadcast_in_dim3A_1191, %select_n3A_1159 : vector<70x128xi1>, vector<70x128xf32>
    %eq3A_1193 = arith.constant 9 : i32
    %eq3A_1194 = vector.broadcast %eq3A_1193 : i32 to vector<70x128xi32>
    %eq3A_1195 = arith.cmpi eq, %select_n3A_885, %eq3A_1194 : vector<70x128xi32>
    %get3A_1196 = arith.constant 0 : index
    %get3A_1197 = arith.constant 9 : index
    %get3A_1198 = arith.constant 4 : index
    %get3A_1199 = memref.load %arg1[%get3A_1196, %get3A_1197, %get3A_1198] : memref<1x12x5xf32, #tpu.memory_space<smem>>
    %broadcast_in_dim3A_1200 = vector.broadcast %get3A_1199 : f32 to vector<70x128xf32>
    %select_n3A_1201 = arith.select %eq3A_1195, %broadcast_in_dim3A_1200, %select_n3A_1168 : vector<70x128xi1>, vector<70x128xf32>
    %get3A_1202 = arith.constant 0 : index
    %get3A_1203 = arith.constant 9 : index
    %get3A_1204 = arith.constant 0 : index
    %get3A_1205 = memref.load %arg1[%get3A_1202, %get3A_1203, %get3A_1204] : memref<1x12x5xf32, #tpu.memory_space<smem>>
    %broadcast_in_dim3A_1206 = vector.broadcast %get3A_1205 : f32 to vector<70x128xf32>
    %select_n3A_1207 = arith.select %eq3A_1195, %broadcast_in_dim3A_1206, %select_n3A_1174 : vector<70x128xi1>, vector<70x128xf32>
    %get3A_1208 = arith.constant 0 : index
    %get3A_1209 = arith.constant 9 : index
    %get3A_1210 = arith.constant 1 : index
    %get3A_1211 = memref.load %arg1[%get3A_1208, %get3A_1209, %get3A_1210] : memref<1x12x5xf32, #tpu.memory_space<smem>>
    %broadcast_in_dim3A_1212 = vector.broadcast %get3A_1211 : f32 to vector<70x128xf32>
    %select_n3A_1213 = arith.select %eq3A_1195, %broadcast_in_dim3A_1212, %select_n3A_1180 : vector<70x128xi1>, vector<70x128xf32>
    %get3A_1214 = arith.constant 0 : index
    %get3A_1215 = arith.constant 9 : index
    %get3A_1216 = arith.constant 2 : index
    %get3A_1217 = memref.load %arg1[%get3A_1214, %get3A_1215, %get3A_1216] : memref<1x12x5xf32, #tpu.memory_space<smem>>
    %broadcast_in_dim3A_1218 = vector.broadcast %get3A_1217 : f32 to vector<70x128xf32>
    %select_n3A_1219 = arith.select %eq3A_1195, %broadcast_in_dim3A_1218, %select_n3A_1186 : vector<70x128xi1>, vector<70x128xf32>
    %get3A_1220 = arith.constant 0 : index
    %get3A_1221 = arith.constant 9 : index
    %get3A_1222 = arith.constant 3 : index
    %get3A_1223 = memref.load %arg1[%get3A_1220, %get3A_1221, %get3A_1222] : memref<1x12x5xf32, #tpu.memory_space<smem>>
    %broadcast_in_dim3A_1224 = vector.broadcast %get3A_1223 : f32 to vector<70x128xf32>
    %select_n3A_1225 = arith.select %eq3A_1195, %broadcast_in_dim3A_1224, %select_n3A_1192 : vector<70x128xi1>, vector<70x128xf32>
    %eq3A_1226 = arith.constant 10 : i32
    %eq3A_1227 = vector.broadcast %eq3A_1226 : i32 to vector<70x128xi32>
    %eq3A_1228 = arith.cmpi eq, %select_n3A_885, %eq3A_1227 : vector<70x128xi32>
    %get3A_1229 = arith.constant 0 : index
    %get3A_1230 = arith.constant 10 : index
    %get3A_1231 = arith.constant 4 : index
    %get3A_1232 = memref.load %arg1[%get3A_1229, %get3A_1230, %get3A_1231] : memref<1x12x5xf32, #tpu.memory_space<smem>>
    %broadcast_in_dim3A_1233 = vector.broadcast %get3A_1232 : f32 to vector<70x128xf32>
    %select_n3A_1234 = arith.select %eq3A_1228, %broadcast_in_dim3A_1233, %select_n3A_1201 : vector<70x128xi1>, vector<70x128xf32>
    %get3A_1235 = arith.constant 0 : index
    %get3A_1236 = arith.constant 10 : index
    %get3A_1237 = arith.constant 0 : index
    %get3A_1238 = memref.load %arg1[%get3A_1235, %get3A_1236, %get3A_1237] : memref<1x12x5xf32, #tpu.memory_space<smem>>
    %broadcast_in_dim3A_1239 = vector.broadcast %get3A_1238 : f32 to vector<70x128xf32>
    %select_n3A_1240 = arith.select %eq3A_1228, %broadcast_in_dim3A_1239, %select_n3A_1207 : vector<70x128xi1>, vector<70x128xf32>
    %get3A_1241 = arith.constant 0 : index
    %get3A_1242 = arith.constant 10 : index
    %get3A_1243 = arith.constant 1 : index
    %get3A_1244 = memref.load %arg1[%get3A_1241, %get3A_1242, %get3A_1243] : memref<1x12x5xf32, #tpu.memory_space<smem>>
    %broadcast_in_dim3A_1245 = vector.broadcast %get3A_1244 : f32 to vector<70x128xf32>
    %select_n3A_1246 = arith.select %eq3A_1228, %broadcast_in_dim3A_1245, %select_n3A_1213 : vector<70x128xi1>, vector<70x128xf32>
    %get3A_1247 = arith.constant 0 : index
    %get3A_1248 = arith.constant 10 : index
    %get3A_1249 = arith.constant 2 : index
    %get3A_1250 = memref.load %arg1[%get3A_1247, %get3A_1248, %get3A_1249] : memref<1x12x5xf32, #tpu.memory_space<smem>>
    %broadcast_in_dim3A_1251 = vector.broadcast %get3A_1250 : f32 to vector<70x128xf32>
    %select_n3A_1252 = arith.select %eq3A_1228, %broadcast_in_dim3A_1251, %select_n3A_1219 : vector<70x128xi1>, vector<70x128xf32>
    %get3A_1253 = arith.constant 0 : index
    %get3A_1254 = arith.constant 10 : index
    %get3A_1255 = arith.constant 3 : index
    %get3A_1256 = memref.load %arg1[%get3A_1253, %get3A_1254, %get3A_1255] : memref<1x12x5xf32, #tpu.memory_space<smem>>
    %broadcast_in_dim3A_1257 = vector.broadcast %get3A_1256 : f32 to vector<70x128xf32>
    %select_n3A_1258 = arith.select %eq3A_1228, %broadcast_in_dim3A_1257, %select_n3A_1225 : vector<70x128xi1>, vector<70x128xf32>
    %eq3A_1259 = arith.constant 11 : i32
    %eq3A_1260 = vector.broadcast %eq3A_1259 : i32 to vector<70x128xi32>
    %eq3A_1261 = arith.cmpi eq, %select_n3A_885, %eq3A_1260 : vector<70x128xi32>
    %get3A_1262 = arith.constant 0 : index
    %get3A_1263 = arith.constant 11 : index
    %get3A_1264 = arith.constant 4 : index
    %get3A_1265 = memref.load %arg1[%get3A_1262, %get3A_1263, %get3A_1264] : memref<1x12x5xf32, #tpu.memory_space<smem>>
    %broadcast_in_dim3A_1266 = vector.broadcast %get3A_1265 : f32 to vector<70x128xf32>
    %select_n3A_1267 = arith.select %eq3A_1261, %broadcast_in_dim3A_1266, %select_n3A_1234 : vector<70x128xi1>, vector<70x128xf32>
    %get3A_1268 = arith.constant 0 : index
    %get3A_1269 = arith.constant 11 : index
    %get3A_1270 = arith.constant 0 : index
    %get3A_1271 = memref.load %arg1[%get3A_1268, %get3A_1269, %get3A_1270] : memref<1x12x5xf32, #tpu.memory_space<smem>>
    %broadcast_in_dim3A_1272 = vector.broadcast %get3A_1271 : f32 to vector<70x128xf32>
    %select_n3A_1273 = arith.select %eq3A_1261, %broadcast_in_dim3A_1272, %select_n3A_1240 : vector<70x128xi1>, vector<70x128xf32>
    %get3A_1274 = arith.constant 0 : index
    %get3A_1275 = arith.constant 11 : index
    %get3A_1276 = arith.constant 1 : index
    %get3A_1277 = memref.load %arg1[%get3A_1274, %get3A_1275, %get3A_1276] : memref<1x12x5xf32, #tpu.memory_space<smem>>
    %broadcast_in_dim3A_1278 = vector.broadcast %get3A_1277 : f32 to vector<70x128xf32>
    %select_n3A_1279 = arith.select %eq3A_1261, %broadcast_in_dim3A_1278, %select_n3A_1246 : vector<70x128xi1>, vector<70x128xf32>
    %get3A_1280 = arith.constant 0 : index
    %get3A_1281 = arith.constant 11 : index
    %get3A_1282 = arith.constant 2 : index
    %get3A_1283 = memref.load %arg1[%get3A_1280, %get3A_1281, %get3A_1282] : memref<1x12x5xf32, #tpu.memory_space<smem>>
    %broadcast_in_dim3A_1284 = vector.broadcast %get3A_1283 : f32 to vector<70x128xf32>
    %select_n3A_1285 = arith.select %eq3A_1261, %broadcast_in_dim3A_1284, %select_n3A_1252 : vector<70x128xi1>, vector<70x128xf32>
    %get3A_1286 = arith.constant 0 : index
    %get3A_1287 = arith.constant 11 : index
    %get3A_1288 = arith.constant 3 : index
    %get3A_1289 = memref.load %arg1[%get3A_1286, %get3A_1287, %get3A_1288] : memref<1x12x5xf32, #tpu.memory_space<smem>>
    %broadcast_in_dim3A_1290 = vector.broadcast %get3A_1289 : f32 to vector<70x128xf32>
    %select_n3A_1291 = arith.select %eq3A_1261, %broadcast_in_dim3A_1290, %select_n3A_1258 : vector<70x128xi1>, vector<70x128xf32>
    %lt3A_1292 = arith.constant 5.000000e-01 : f32
    %lt3A_1293 = vector.broadcast %lt3A_1292 : f32 to vector<70x128xf32>
    %lt3A_1294 = arith.cmpf olt, %select_n3A_882, %lt3A_1293 : vector<70x128xf32>
    %convert_element_type3A = arith.fptosi %select_n3A_1267 : vector<70x128xf32> to vector<70x128xi32>
    %add3A_1295 = arith.constant 1 : i32
    %add3A_1296 = vector.broadcast %add3A_1295 : i32 to vector<70x128xi32>
    %add3A_1297 = arith.addi %convert_element_type3A, %add3A_1296 : vector<70x128xi32>
    %jit3A_1298 = arith.constant 0 : i32
    %broadcast_in_dim3A_1299 = vector.broadcast %jit3A_1298 : i32 to vector<70x128xi32>
    %select_n3A_1300 = arith.select %lt3A_1294, %broadcast_in_dim3A_1299, %add3A_1297 : vector<70x128xi1>, vector<70x128xi32>
    %gt3A_1301 = arith.constant 0 : i32
    %gt3A_1302 = vector.broadcast %gt3A_1301 : i32 to vector<70x128xi32>
    %gt3A_1303 = arith.cmpi sgt, %select_n3A_1300, %gt3A_1302 : vector<70x128xi32>
    %add3A_1304 = arith.addf %select_n3A_1273, %select_n3A_1285 : vector<70x128xf32>
    %mul3A_1305 = arith.constant 5.000000e-01 : f32
    %mul3A_1306 = vector.broadcast %mul3A_1305 : f32 to vector<70x128xf32>
    %mul3A_1307 = arith.mulf %add3A_1304, %mul3A_1306 : vector<70x128xf32>
    %sub3A_1308 = arith.subf %mul3A_1307, %get3A_8 : vector<70x128xf32>
    %mul3A_1309 = arith.constant 1.000000e-01 : f32
    %mul3A_1310 = vector.broadcast %mul3A_1309 : f32 to vector<70x128xf32>
    %mul3A_1311 = arith.mulf %mul3A_1310, %get3A_18 : vector<70x128xf32>
    %div3A_1312 = arith.divf %sub3A_1308, %mul3A_1311 : vector<70x128xf32>
    %add3A_1313 = arith.addf %select_n3A_1279, %select_n3A_1291 : vector<70x128xf32>
    %mul3A_1314 = arith.constant 5.000000e-01 : f32
    %mul3A_1315 = vector.broadcast %mul3A_1314 : f32 to vector<70x128xf32>
    %mul3A_1316 = arith.mulf %add3A_1313, %mul3A_1315 : vector<70x128xf32>
    %sub3A_1317 = arith.subf %mul3A_1316, %get3A_13 : vector<70x128xf32>
    %mul3A_1318 = arith.constant 1.000000e-01 : f32
    %mul3A_1319 = vector.broadcast %mul3A_1318 : f32 to vector<70x128xf32>
    %mul3A_1320 = arith.mulf %mul3A_1319, %get3A_23 : vector<70x128xf32>
    %div3A_1321 = arith.divf %sub3A_1317, %mul3A_1320 : vector<70x128xf32>
    %sub3A_1322 = arith.subf %select_n3A_1285, %select_n3A_1273 : vector<70x128xf32>
    %div3A_1323 = arith.divf %sub3A_1322, %get3A_18 : vector<70x128xf32>
    %log3A = math.log %div3A_1323 : vector<70x128xf32>
    %div3A_1324 = arith.constant 2.000000e-01 : f32
    %div3A_1325 = vector.broadcast %div3A_1324 : f32 to vector<70x128xf32>
    %div3A_1326 = arith.divf %log3A, %div3A_1325 : vector<70x128xf32>
    %sub3A_1327 = arith.subf %select_n3A_1291, %select_n3A_1279 : vector<70x128xf32>
    %div3A_1328 = arith.divf %sub3A_1327, %get3A_23 : vector<70x128xf32>
    %log3A_1329 = math.log %div3A_1328 : vector<70x128xf32>
    %div3A_1330 = arith.constant 2.000000e-01 : f32
    %div3A_1331 = vector.broadcast %div3A_1330 : f32 to vector<70x128xf32>
    %div3A_1332 = arith.divf %log3A_1329, %div3A_1331 : vector<70x128xf32>
    %get3A_1333 = arith.constant 0 : index
    %get3A_1334 = arith.constant 0 : index
    %get3A_1335 = arith.constant 0 : index
    %get3A_1336 = arith.constant 0 : index
    %get3A_1337 = vector.load %arg3[%get3A_1333, %get3A_1334, %get3A_1335, %get3A_1336] : memref<1x4x70x128xf32, #tpu.memory_space<vmem>>, vector<1x1x70x128xf32>
    %get3A_1338 = vector.shape_cast %get3A_1337 : vector<1x1x70x128xf32> to vector<70x128xf32>
    %sub3A_1339 = arith.subf %get3A_1338, %div3A_1312 : vector<70x128xf32>
    %abs3A = math.absf %sub3A_1339 : vector<70x128xf32>
    %lt3A_1340 = arith.constant 1.000000e+00 : f32
    %lt3A_1341 = vector.broadcast %lt3A_1340 : f32 to vector<70x128xf32>
    %lt3A_1342 = arith.cmpf olt, %abs3A, %lt3A_1341 : vector<70x128xf32>
    %mul3A_1343 = arith.constant 5.000000e-01 : f32
    %mul3A_1344 = vector.broadcast %mul3A_1343 : f32 to vector<70x128xf32>
    %mul3A_1345 = arith.mulf %mul3A_1344, %sub3A_1339 : vector<70x128xf32>
    %mul3A_1346 = arith.mulf %mul3A_1345, %sub3A_1339 : vector<70x128xf32>
    %sub3A_1347 = arith.constant 5.000000e-01 : f32
    %sub3A_1348 = vector.broadcast %sub3A_1347 : f32 to vector<70x128xf32>
    %sub3A_1349 = arith.subf %abs3A, %sub3A_1348 : vector<70x128xf32>
    %select_n3A_1350 = arith.select %lt3A_1342, %mul3A_1346, %sub3A_1349 : vector<70x128xi1>, vector<70x128xf32>
    %jit3A_1351 = arith.constant 0.000000e+00 : f32
    %broadcast_in_dim3A_1352 = vector.broadcast %jit3A_1351 : f32 to vector<70x128xf32>
    %select_n3A_1353 = arith.select %gt3A_1303, %select_n3A_1350, %broadcast_in_dim3A_1352 : vector<70x128xi1>, vector<70x128xf32>
    %reduce_sum3A = vector.shape_cast %select_n3A_1353 : vector<70x128xf32> to vector<1x70x128xf32>
    %reduce_sum3A_1354 = arith.constant dense<0.000000e+00> : vector<1xf32>
    %reduce_sum3A_1355 = vector.multi_reduction <add>, %reduce_sum3A, %reduce_sum3A_1354 [1, 2] : vector<1x70x128xf32> to vector<1xf32>
    %reduce_sum3A_1356 = vector.shape_cast %reduce_sum3A_1355 : vector<1xf32> to vector<1x1x1xf32>
    %reduce_sum3A_1357 = vector.extract %reduce_sum3A_1356[0, 0, 0] : f32 from vector<1x1x1xf32>
    %add3A_1358 = arith.constant 0.000000e+00 : f32
    %add3A_1359 = arith.addf %add3A_1358, %reduce_sum3A_1357 : f32
    %get3A_1360 = arith.constant 0 : index
    %get3A_1361 = arith.constant 1 : index
    %get3A_1362 = arith.constant 0 : index
    %get3A_1363 = arith.constant 0 : index
    %get3A_1364 = vector.load %arg3[%get3A_1360, %get3A_1361, %get3A_1362, %get3A_1363] : memref<1x4x70x128xf32, #tpu.memory_space<vmem>>, vector<1x1x70x128xf32>
    %get3A_1365 = vector.shape_cast %get3A_1364 : vector<1x1x70x128xf32> to vector<70x128xf32>
    %sub3A_1366 = arith.subf %get3A_1365, %div3A_1321 : vector<70x128xf32>
    %abs3A_1367 = math.absf %sub3A_1366 : vector<70x128xf32>
    %lt3A_1368 = arith.constant 1.000000e+00 : f32
    %lt3A_1369 = vector.broadcast %lt3A_1368 : f32 to vector<70x128xf32>
    %lt3A_1370 = arith.cmpf olt, %abs3A_1367, %lt3A_1369 : vector<70x128xf32>
    %mul3A_1371 = arith.constant 5.000000e-01 : f32
    %mul3A_1372 = vector.broadcast %mul3A_1371 : f32 to vector<70x128xf32>
    %mul3A_1373 = arith.mulf %mul3A_1372, %sub3A_1366 : vector<70x128xf32>
    %mul3A_1374 = arith.mulf %mul3A_1373, %sub3A_1366 : vector<70x128xf32>
    %sub3A_1375 = arith.constant 5.000000e-01 : f32
    %sub3A_1376 = vector.broadcast %sub3A_1375 : f32 to vector<70x128xf32>
    %sub3A_1377 = arith.subf %abs3A_1367, %sub3A_1376 : vector<70x128xf32>
    %select_n3A_1378 = arith.select %lt3A_1370, %mul3A_1374, %sub3A_1377 : vector<70x128xi1>, vector<70x128xf32>
    %jit3A_1379 = arith.constant 0.000000e+00 : f32
    %broadcast_in_dim3A_1380 = vector.broadcast %jit3A_1379 : f32 to vector<70x128xf32>
    %select_n3A_1381 = arith.select %gt3A_1303, %select_n3A_1378, %broadcast_in_dim3A_1380 : vector<70x128xi1>, vector<70x128xf32>
    %reduce_sum3A_1382 = vector.shape_cast %select_n3A_1381 : vector<70x128xf32> to vector<1x70x128xf32>
    %reduce_sum3A_1383 = arith.constant dense<0.000000e+00> : vector<1xf32>
    %reduce_sum3A_1384 = vector.multi_reduction <add>, %reduce_sum3A_1382, %reduce_sum3A_1383 [1, 2] : vector<1x70x128xf32> to vector<1xf32>
    %reduce_sum3A_1385 = vector.shape_cast %reduce_sum3A_1384 : vector<1xf32> to vector<1x1x1xf32>
    %reduce_sum3A_1386 = vector.extract %reduce_sum3A_1385[0, 0, 0] : f32 from vector<1x1x1xf32>
    %add3A_1387 = arith.addf %add3A_1359, %reduce_sum3A_1386 : f32
    %get3A_1388 = arith.constant 0 : index
    %get3A_1389 = arith.constant 2 : index
    %get3A_1390 = arith.constant 0 : index
    %get3A_1391 = arith.constant 0 : index
    %get3A_1392 = vector.load %arg3[%get3A_1388, %get3A_1389, %get3A_1390, %get3A_1391] : memref<1x4x70x128xf32, #tpu.memory_space<vmem>>, vector<1x1x70x128xf32>
    %get3A_1393 = vector.shape_cast %get3A_1392 : vector<1x1x70x128xf32> to vector<70x128xf32>
    %sub3A_1394 = arith.subf %get3A_1393, %div3A_1326 : vector<70x128xf32>
    %abs3A_1395 = math.absf %sub3A_1394 : vector<70x128xf32>
    %lt3A_1396 = arith.constant 1.000000e+00 : f32
    %lt3A_1397 = vector.broadcast %lt3A_1396 : f32 to vector<70x128xf32>
    %lt3A_1398 = arith.cmpf olt, %abs3A_1395, %lt3A_1397 : vector<70x128xf32>
    %mul3A_1399 = arith.constant 5.000000e-01 : f32
    %mul3A_1400 = vector.broadcast %mul3A_1399 : f32 to vector<70x128xf32>
    %mul3A_1401 = arith.mulf %mul3A_1400, %sub3A_1394 : vector<70x128xf32>
    %mul3A_1402 = arith.mulf %mul3A_1401, %sub3A_1394 : vector<70x128xf32>
    %sub3A_1403 = arith.constant 5.000000e-01 : f32
    %sub3A_1404 = vector.broadcast %sub3A_1403 : f32 to vector<70x128xf32>
    %sub3A_1405 = arith.subf %abs3A_1395, %sub3A_1404 : vector<70x128xf32>
    %select_n3A_1406 = arith.select %lt3A_1398, %mul3A_1402, %sub3A_1405 : vector<70x128xi1>, vector<70x128xf32>
    %jit3A_1407 = arith.constant 0.000000e+00 : f32
    %broadcast_in_dim3A_1408 = vector.broadcast %jit3A_1407 : f32 to vector<70x128xf32>
    %select_n3A_1409 = arith.select %gt3A_1303, %select_n3A_1406, %broadcast_in_dim3A_1408 : vector<70x128xi1>, vector<70x128xf32>
    %reduce_sum3A_1410 = vector.shape_cast %select_n3A_1409 : vector<70x128xf32> to vector<1x70x128xf32>
    %reduce_sum3A_1411 = arith.constant dense<0.000000e+00> : vector<1xf32>
    %reduce_sum3A_1412 = vector.multi_reduction <add>, %reduce_sum3A_1410, %reduce_sum3A_1411 [1, 2] : vector<1x70x128xf32> to vector<1xf32>
    %reduce_sum3A_1413 = vector.shape_cast %reduce_sum3A_1412 : vector<1xf32> to vector<1x1x1xf32>
    %reduce_sum3A_1414 = vector.extract %reduce_sum3A_1413[0, 0, 0] : f32 from vector<1x1x1xf32>
    %add3A_1415 = arith.addf %add3A_1387, %reduce_sum3A_1414 : f32
    %get3A_1416 = arith.constant 0 : index
    %get3A_1417 = arith.constant 3 : index
    %get3A_1418 = arith.constant 0 : index
    %get3A_1419 = arith.constant 0 : index
    %get3A_1420 = vector.load %arg3[%get3A_1416, %get3A_1417, %get3A_1418, %get3A_1419] : memref<1x4x70x128xf32, #tpu.memory_space<vmem>>, vector<1x1x70x128xf32>
    %get3A_1421 = vector.shape_cast %get3A_1420 : vector<1x1x70x128xf32> to vector<70x128xf32>
    %sub3A_1422 = arith.subf %get3A_1421, %div3A_1332 : vector<70x128xf32>
    %abs3A_1423 = math.absf %sub3A_1422 : vector<70x128xf32>
    %lt3A_1424 = arith.constant 1.000000e+00 : f32
    %lt3A_1425 = vector.broadcast %lt3A_1424 : f32 to vector<70x128xf32>
    %lt3A_1426 = arith.cmpf olt, %abs3A_1423, %lt3A_1425 : vector<70x128xf32>
    %mul3A_1427 = arith.constant 5.000000e-01 : f32
    %mul3A_1428 = vector.broadcast %mul3A_1427 : f32 to vector<70x128xf32>
    %mul3A_1429 = arith.mulf %mul3A_1428, %sub3A_1422 : vector<70x128xf32>
    %mul3A_1430 = arith.mulf %mul3A_1429, %sub3A_1422 : vector<70x128xf32>
    %sub3A_1431 = arith.constant 5.000000e-01 : f32
    %sub3A_1432 = vector.broadcast %sub3A_1431 : f32 to vector<70x128xf32>
    %sub3A_1433 = arith.subf %abs3A_1423, %sub3A_1432 : vector<70x128xf32>
    %select_n3A_1434 = arith.select %lt3A_1426, %mul3A_1430, %sub3A_1433 : vector<70x128xi1>, vector<70x128xf32>
    %jit3A_1435 = arith.constant 0.000000e+00 : f32
    %broadcast_in_dim3A_1436 = vector.broadcast %jit3A_1435 : f32 to vector<70x128xf32>
    %select_n3A_1437 = arith.select %gt3A_1303, %select_n3A_1434, %broadcast_in_dim3A_1436 : vector<70x128xi1>, vector<70x128xf32>
    %reduce_sum3A_1438 = vector.shape_cast %select_n3A_1437 : vector<70x128xf32> to vector<1x70x128xf32>
    %reduce_sum3A_1439 = arith.constant dense<0.000000e+00> : vector<1xf32>
    %reduce_sum3A_1440 = vector.multi_reduction <add>, %reduce_sum3A_1438, %reduce_sum3A_1439 [1, 2] : vector<1x70x128xf32> to vector<1xf32>
    %reduce_sum3A_1441 = vector.shape_cast %reduce_sum3A_1440 : vector<1xf32> to vector<1x1x1xf32>
    %reduce_sum3A_1442 = vector.extract %reduce_sum3A_1441[0, 0, 0] : f32 from vector<1x1x1xf32>
    %add3A_1443 = arith.addf %add3A_1415, %reduce_sum3A_1442 : f32
    %get3A_1444 = arith.constant 0 : index
    %get3A_1445 = arith.constant 0 : index
    %get3A_1446 = arith.constant 0 : index
    %get3A_1447 = arith.constant 0 : index
    %get3A_1448 = vector.load %arg4[%get3A_1444, %get3A_1445, %get3A_1446, %get3A_1447] : memref<1x21x70x128xf32, #tpu.memory_space<vmem>>, vector<1x21x70x128xf32>
    %get3A_1449 = vector.shape_cast %get3A_1448 : vector<1x21x70x128xf32> to vector<21x70x128xf32>
    %reduce_max3A_1450 = arith.constant dense<0xFF800000> : vector<70x128xf32>
    %reduce_max3A_1451 = vector.multi_reduction <maximumf>, %get3A_1449, %reduce_max3A_1450 [0] : vector<21x70x128xf32> to vector<70x128xf32>
    %broadcast_in_dim3A_1452 = arith.constant 0.000000e+00 : f32
    %broadcast_in_dim3A_1453 = vector.broadcast %broadcast_in_dim3A_1452 : f32 to vector<70x128xf32>
    %slice3A = vector.extract_strided_slice %get3A_1449 {offsets = [0, 0, 0], sizes = [1, 70, 128], strides = [1, 1, 1]} : vector<21x70x128xf32> to vector<1x70x128xf32>
    %squeeze3A = vector.shape_cast %slice3A : vector<1x70x128xf32> to vector<70x128xf32>
    %sub3A_1454 = arith.subf %squeeze3A, %reduce_max3A_1451 : vector<70x128xf32>
    %exp3A = math.exp %sub3A_1454 : vector<70x128xf32>
    %add3A_1455 = arith.addf %broadcast_in_dim3A_1453, %exp3A : vector<70x128xf32>
    %slice3A_1456 = vector.extract_strided_slice %get3A_1449 {offsets = [1, 0, 0], sizes = [1, 70, 128], strides = [1, 1, 1]} : vector<21x70x128xf32> to vector<1x70x128xf32>
    %squeeze3A_1457 = vector.shape_cast %slice3A_1456 : vector<1x70x128xf32> to vector<70x128xf32>
    %sub3A_1458 = arith.subf %squeeze3A_1457, %reduce_max3A_1451 : vector<70x128xf32>
    %exp3A_1459 = math.exp %sub3A_1458 : vector<70x128xf32>
    %add3A_1460 = arith.addf %add3A_1455, %exp3A_1459 : vector<70x128xf32>
    %slice3A_1461 = vector.extract_strided_slice %get3A_1449 {offsets = [2, 0, 0], sizes = [1, 70, 128], strides = [1, 1, 1]} : vector<21x70x128xf32> to vector<1x70x128xf32>
    %squeeze3A_1462 = vector.shape_cast %slice3A_1461 : vector<1x70x128xf32> to vector<70x128xf32>
    %sub3A_1463 = arith.subf %squeeze3A_1462, %reduce_max3A_1451 : vector<70x128xf32>
    %exp3A_1464 = math.exp %sub3A_1463 : vector<70x128xf32>
    %add3A_1465 = arith.addf %add3A_1460, %exp3A_1464 : vector<70x128xf32>
    %slice3A_1466 = vector.extract_strided_slice %get3A_1449 {offsets = [3, 0, 0], sizes = [1, 70, 128], strides = [1, 1, 1]} : vector<21x70x128xf32> to vector<1x70x128xf32>
    %squeeze3A_1467 = vector.shape_cast %slice3A_1466 : vector<1x70x128xf32> to vector<70x128xf32>
    %sub3A_1468 = arith.subf %squeeze3A_1467, %reduce_max3A_1451 : vector<70x128xf32>
    %exp3A_1469 = math.exp %sub3A_1468 : vector<70x128xf32>
    %add3A_1470 = arith.addf %add3A_1465, %exp3A_1469 : vector<70x128xf32>
    %slice3A_1471 = vector.extract_strided_slice %get3A_1449 {offsets = [4, 0, 0], sizes = [1, 70, 128], strides = [1, 1, 1]} : vector<21x70x128xf32> to vector<1x70x128xf32>
    %squeeze3A_1472 = vector.shape_cast %slice3A_1471 : vector<1x70x128xf32> to vector<70x128xf32>
    %sub3A_1473 = arith.subf %squeeze3A_1472, %reduce_max3A_1451 : vector<70x128xf32>
    %exp3A_1474 = math.exp %sub3A_1473 : vector<70x128xf32>
    %add3A_1475 = arith.addf %add3A_1470, %exp3A_1474 : vector<70x128xf32>
    %slice3A_1476 = vector.extract_strided_slice %get3A_1449 {offsets = [5, 0, 0], sizes = [1, 70, 128], strides = [1, 1, 1]} : vector<21x70x128xf32> to vector<1x70x128xf32>
    %squeeze3A_1477 = vector.shape_cast %slice3A_1476 : vector<1x70x128xf32> to vector<70x128xf32>
    %sub3A_1478 = arith.subf %squeeze3A_1477, %reduce_max3A_1451 : vector<70x128xf32>
    %exp3A_1479 = math.exp %sub3A_1478 : vector<70x128xf32>
    %add3A_1480 = arith.addf %add3A_1475, %exp3A_1479 : vector<70x128xf32>
    %slice3A_1481 = vector.extract_strided_slice %get3A_1449 {offsets = [6, 0, 0], sizes = [1, 70, 128], strides = [1, 1, 1]} : vector<21x70x128xf32> to vector<1x70x128xf32>
    %squeeze3A_1482 = vector.shape_cast %slice3A_1481 : vector<1x70x128xf32> to vector<70x128xf32>
    %sub3A_1483 = arith.subf %squeeze3A_1482, %reduce_max3A_1451 : vector<70x128xf32>
    %exp3A_1484 = math.exp %sub3A_1483 : vector<70x128xf32>
    %add3A_1485 = arith.addf %add3A_1480, %exp3A_1484 : vector<70x128xf32>
    %slice3A_1486 = vector.extract_strided_slice %get3A_1449 {offsets = [7, 0, 0], sizes = [1, 70, 128], strides = [1, 1, 1]} : vector<21x70x128xf32> to vector<1x70x128xf32>
    %squeeze3A_1487 = vector.shape_cast %slice3A_1486 : vector<1x70x128xf32> to vector<70x128xf32>
    %sub3A_1488 = arith.subf %squeeze3A_1487, %reduce_max3A_1451 : vector<70x128xf32>
    %exp3A_1489 = math.exp %sub3A_1488 : vector<70x128xf32>
    %add3A_1490 = arith.addf %add3A_1485, %exp3A_1489 : vector<70x128xf32>
    %slice3A_1491 = vector.extract_strided_slice %get3A_1449 {offsets = [8, 0, 0], sizes = [1, 70, 128], strides = [1, 1, 1]} : vector<21x70x128xf32> to vector<1x70x128xf32>
    %squeeze3A_1492 = vector.shape_cast %slice3A_1491 : vector<1x70x128xf32> to vector<70x128xf32>
    %sub3A_1493 = arith.subf %squeeze3A_1492, %reduce_max3A_1451 : vector<70x128xf32>
    %exp3A_1494 = math.exp %sub3A_1493 : vector<70x128xf32>
    %add3A_1495 = arith.addf %add3A_1490, %exp3A_1494 : vector<70x128xf32>
    %slice3A_1496 = vector.extract_strided_slice %get3A_1449 {offsets = [9, 0, 0], sizes = [1, 70, 128], strides = [1, 1, 1]} : vector<21x70x128xf32> to vector<1x70x128xf32>
    %squeeze3A_1497 = vector.shape_cast %slice3A_1496 : vector<1x70x128xf32> to vector<70x128xf32>
    %sub3A_1498 = arith.subf %squeeze3A_1497, %reduce_max3A_1451 : vector<70x128xf32>
    %exp3A_1499 = math.exp %sub3A_1498 : vector<70x128xf32>
    %add3A_1500 = arith.addf %add3A_1495, %exp3A_1499 : vector<70x128xf32>
    %slice3A_1501 = vector.extract_strided_slice %get3A_1449 {offsets = [10, 0, 0], sizes = [1, 70, 128], strides = [1, 1, 1]} : vector<21x70x128xf32> to vector<1x70x128xf32>
    %squeeze3A_1502 = vector.shape_cast %slice3A_1501 : vector<1x70x128xf32> to vector<70x128xf32>
    %sub3A_1503 = arith.subf %squeeze3A_1502, %reduce_max3A_1451 : vector<70x128xf32>
    %exp3A_1504 = math.exp %sub3A_1503 : vector<70x128xf32>
    %add3A_1505 = arith.addf %add3A_1500, %exp3A_1504 : vector<70x128xf32>
    %slice3A_1506 = vector.extract_strided_slice %get3A_1449 {offsets = [11, 0, 0], sizes = [1, 70, 128], strides = [1, 1, 1]} : vector<21x70x128xf32> to vector<1x70x128xf32>
    %squeeze3A_1507 = vector.shape_cast %slice3A_1506 : vector<1x70x128xf32> to vector<70x128xf32>
    %sub3A_1508 = arith.subf %squeeze3A_1507, %reduce_max3A_1451 : vector<70x128xf32>
    %exp3A_1509 = math.exp %sub3A_1508 : vector<70x128xf32>
    %add3A_1510 = arith.addf %add3A_1505, %exp3A_1509 : vector<70x128xf32>
    %slice3A_1511 = vector.extract_strided_slice %get3A_1449 {offsets = [12, 0, 0], sizes = [1, 70, 128], strides = [1, 1, 1]} : vector<21x70x128xf32> to vector<1x70x128xf32>
    %squeeze3A_1512 = vector.shape_cast %slice3A_1511 : vector<1x70x128xf32> to vector<70x128xf32>
    %sub3A_1513 = arith.subf %squeeze3A_1512, %reduce_max3A_1451 : vector<70x128xf32>
    %exp3A_1514 = math.exp %sub3A_1513 : vector<70x128xf32>
    %add3A_1515 = arith.addf %add3A_1510, %exp3A_1514 : vector<70x128xf32>
    %slice3A_1516 = vector.extract_strided_slice %get3A_1449 {offsets = [13, 0, 0], sizes = [1, 70, 128], strides = [1, 1, 1]} : vector<21x70x128xf32> to vector<1x70x128xf32>
    %squeeze3A_1517 = vector.shape_cast %slice3A_1516 : vector<1x70x128xf32> to vector<70x128xf32>
    %sub3A_1518 = arith.subf %squeeze3A_1517, %reduce_max3A_1451 : vector<70x128xf32>
    %exp3A_1519 = math.exp %sub3A_1518 : vector<70x128xf32>
    %add3A_1520 = arith.addf %add3A_1515, %exp3A_1519 : vector<70x128xf32>
    %slice3A_1521 = vector.extract_strided_slice %get3A_1449 {offsets = [14, 0, 0], sizes = [1, 70, 128], strides = [1, 1, 1]} : vector<21x70x128xf32> to vector<1x70x128xf32>
    %squeeze3A_1522 = vector.shape_cast %slice3A_1521 : vector<1x70x128xf32> to vector<70x128xf32>
    %sub3A_1523 = arith.subf %squeeze3A_1522, %reduce_max3A_1451 : vector<70x128xf32>
    %exp3A_1524 = math.exp %sub3A_1523 : vector<70x128xf32>
    %add3A_1525 = arith.addf %add3A_1520, %exp3A_1524 : vector<70x128xf32>
    %slice3A_1526 = vector.extract_strided_slice %get3A_1449 {offsets = [15, 0, 0], sizes = [1, 70, 128], strides = [1, 1, 1]} : vector<21x70x128xf32> to vector<1x70x128xf32>
    %squeeze3A_1527 = vector.shape_cast %slice3A_1526 : vector<1x70x128xf32> to vector<70x128xf32>
    %sub3A_1528 = arith.subf %squeeze3A_1527, %reduce_max3A_1451 : vector<70x128xf32>
    %exp3A_1529 = math.exp %sub3A_1528 : vector<70x128xf32>
    %add3A_1530 = arith.addf %add3A_1525, %exp3A_1529 : vector<70x128xf32>
    %slice3A_1531 = vector.extract_strided_slice %get3A_1449 {offsets = [16, 0, 0], sizes = [1, 70, 128], strides = [1, 1, 1]} : vector<21x70x128xf32> to vector<1x70x128xf32>
    %squeeze3A_1532 = vector.shape_cast %slice3A_1531 : vector<1x70x128xf32> to vector<70x128xf32>
    %sub3A_1533 = arith.subf %squeeze3A_1532, %reduce_max3A_1451 : vector<70x128xf32>
    %exp3A_1534 = math.exp %sub3A_1533 : vector<70x128xf32>
    %add3A_1535 = arith.addf %add3A_1530, %exp3A_1534 : vector<70x128xf32>
    %slice3A_1536 = vector.extract_strided_slice %get3A_1449 {offsets = [17, 0, 0], sizes = [1, 70, 128], strides = [1, 1, 1]} : vector<21x70x128xf32> to vector<1x70x128xf32>
    %squeeze3A_1537 = vector.shape_cast %slice3A_1536 : vector<1x70x128xf32> to vector<70x128xf32>
    %sub3A_1538 = arith.subf %squeeze3A_1537, %reduce_max3A_1451 : vector<70x128xf32>
    %exp3A_1539 = math.exp %sub3A_1538 : vector<70x128xf32>
    %add3A_1540 = arith.addf %add3A_1535, %exp3A_1539 : vector<70x128xf32>
    %slice3A_1541 = vector.extract_strided_slice %get3A_1449 {offsets = [18, 0, 0], sizes = [1, 70, 128], strides = [1, 1, 1]} : vector<21x70x128xf32> to vector<1x70x128xf32>
    %squeeze3A_1542 = vector.shape_cast %slice3A_1541 : vector<1x70x128xf32> to vector<70x128xf32>
    %sub3A_1543 = arith.subf %squeeze3A_1542, %reduce_max3A_1451 : vector<70x128xf32>
    %exp3A_1544 = math.exp %sub3A_1543 : vector<70x128xf32>
    %add3A_1545 = arith.addf %add3A_1540, %exp3A_1544 : vector<70x128xf32>
    %slice3A_1546 = vector.extract_strided_slice %get3A_1449 {offsets = [19, 0, 0], sizes = [1, 70, 128], strides = [1, 1, 1]} : vector<21x70x128xf32> to vector<1x70x128xf32>
    %squeeze3A_1547 = vector.shape_cast %slice3A_1546 : vector<1x70x128xf32> to vector<70x128xf32>
    %sub3A_1548 = arith.subf %squeeze3A_1547, %reduce_max3A_1451 : vector<70x128xf32>
    %exp3A_1549 = math.exp %sub3A_1548 : vector<70x128xf32>
    %add3A_1550 = arith.addf %add3A_1545, %exp3A_1549 : vector<70x128xf32>
    %slice3A_1551 = vector.extract_strided_slice %get3A_1449 {offsets = [20, 0, 0], sizes = [1, 70, 128], strides = [1, 1, 1]} : vector<21x70x128xf32> to vector<1x70x128xf32>
    %squeeze3A_1552 = vector.shape_cast %slice3A_1551 : vector<1x70x128xf32> to vector<70x128xf32>
    %sub3A_1553 = arith.subf %squeeze3A_1552, %reduce_max3A_1451 : vector<70x128xf32>
    %exp3A_1554 = math.exp %sub3A_1553 : vector<70x128xf32>
    %add3A_1555 = arith.addf %add3A_1550, %exp3A_1554 : vector<70x128xf32>
    %log3A_1556 = math.log %add3A_1555 : vector<70x128xf32>
    %add3A_1557 = arith.addf %reduce_max3A_1451, %log3A_1556 : vector<70x128xf32>
    %broadcast_in_dim3A_1558 = arith.constant 0.000000e+00 : f32
    %broadcast_in_dim3A_1559 = vector.broadcast %broadcast_in_dim3A_1558 : f32 to vector<70x128xf32>
    %eq3A_1560 = arith.constant 0 : i32
    %eq3A_1561 = vector.broadcast %eq3A_1560 : i32 to vector<70x128xi32>
    %eq3A_1562 = arith.cmpi eq, %select_n3A_1300, %eq3A_1561 : vector<70x128xi32>
    %slice3A_1563 = vector.extract_strided_slice %get3A_1449 {offsets = [0, 0, 0], sizes = [1, 70, 128], strides = [1, 1, 1]} : vector<21x70x128xf32> to vector<1x70x128xf32>
    %squeeze3A_1564 = vector.shape_cast %slice3A_1563 : vector<1x70x128xf32> to vector<70x128xf32>
    %select_n3A_1565 = arith.select %eq3A_1562, %squeeze3A_1564, %broadcast_in_dim3A_1559 : vector<70x128xi1>, vector<70x128xf32>
    %eq3A_1566 = arith.constant 1 : i32
    %eq3A_1567 = vector.broadcast %eq3A_1566 : i32 to vector<70x128xi32>
    %eq3A_1568 = arith.cmpi eq, %select_n3A_1300, %eq3A_1567 : vector<70x128xi32>
    %slice3A_1569 = vector.extract_strided_slice %get3A_1449 {offsets = [1, 0, 0], sizes = [1, 70, 128], strides = [1, 1, 1]} : vector<21x70x128xf32> to vector<1x70x128xf32>
    %squeeze3A_1570 = vector.shape_cast %slice3A_1569 : vector<1x70x128xf32> to vector<70x128xf32>
    %select_n3A_1571 = arith.select %eq3A_1568, %squeeze3A_1570, %select_n3A_1565 : vector<70x128xi1>, vector<70x128xf32>
    %eq3A_1572 = arith.constant 2 : i32
    %eq3A_1573 = vector.broadcast %eq3A_1572 : i32 to vector<70x128xi32>
    %eq3A_1574 = arith.cmpi eq, %select_n3A_1300, %eq3A_1573 : vector<70x128xi32>
    %slice3A_1575 = vector.extract_strided_slice %get3A_1449 {offsets = [2, 0, 0], sizes = [1, 70, 128], strides = [1, 1, 1]} : vector<21x70x128xf32> to vector<1x70x128xf32>
    %squeeze3A_1576 = vector.shape_cast %slice3A_1575 : vector<1x70x128xf32> to vector<70x128xf32>
    %select_n3A_1577 = arith.select %eq3A_1574, %squeeze3A_1576, %select_n3A_1571 : vector<70x128xi1>, vector<70x128xf32>
    %eq3A_1578 = arith.constant 3 : i32
    %eq3A_1579 = vector.broadcast %eq3A_1578 : i32 to vector<70x128xi32>
    %eq3A_1580 = arith.cmpi eq, %select_n3A_1300, %eq3A_1579 : vector<70x128xi32>
    %slice3A_1581 = vector.extract_strided_slice %get3A_1449 {offsets = [3, 0, 0], sizes = [1, 70, 128], strides = [1, 1, 1]} : vector<21x70x128xf32> to vector<1x70x128xf32>
    %squeeze3A_1582 = vector.shape_cast %slice3A_1581 : vector<1x70x128xf32> to vector<70x128xf32>
    %select_n3A_1583 = arith.select %eq3A_1580, %squeeze3A_1582, %select_n3A_1577 : vector<70x128xi1>, vector<70x128xf32>
    %eq3A_1584 = arith.constant 4 : i32
    %eq3A_1585 = vector.broadcast %eq3A_1584 : i32 to vector<70x128xi32>
    %eq3A_1586 = arith.cmpi eq, %select_n3A_1300, %eq3A_1585 : vector<70x128xi32>
    %slice3A_1587 = vector.extract_strided_slice %get3A_1449 {offsets = [4, 0, 0], sizes = [1, 70, 128], strides = [1, 1, 1]} : vector<21x70x128xf32> to vector<1x70x128xf32>
    %squeeze3A_1588 = vector.shape_cast %slice3A_1587 : vector<1x70x128xf32> to vector<70x128xf32>
    %select_n3A_1589 = arith.select %eq3A_1586, %squeeze3A_1588, %select_n3A_1583 : vector<70x128xi1>, vector<70x128xf32>
    %eq3A_1590 = arith.constant 5 : i32
    %eq3A_1591 = vector.broadcast %eq3A_1590 : i32 to vector<70x128xi32>
    %eq3A_1592 = arith.cmpi eq, %select_n3A_1300, %eq3A_1591 : vector<70x128xi32>
    %slice3A_1593 = vector.extract_strided_slice %get3A_1449 {offsets = [5, 0, 0], sizes = [1, 70, 128], strides = [1, 1, 1]} : vector<21x70x128xf32> to vector<1x70x128xf32>
    %squeeze3A_1594 = vector.shape_cast %slice3A_1593 : vector<1x70x128xf32> to vector<70x128xf32>
    %select_n3A_1595 = arith.select %eq3A_1592, %squeeze3A_1594, %select_n3A_1589 : vector<70x128xi1>, vector<70x128xf32>
    %eq3A_1596 = arith.constant 6 : i32
    %eq3A_1597 = vector.broadcast %eq3A_1596 : i32 to vector<70x128xi32>
    %eq3A_1598 = arith.cmpi eq, %select_n3A_1300, %eq3A_1597 : vector<70x128xi32>
    %slice3A_1599 = vector.extract_strided_slice %get3A_1449 {offsets = [6, 0, 0], sizes = [1, 70, 128], strides = [1, 1, 1]} : vector<21x70x128xf32> to vector<1x70x128xf32>
    %squeeze3A_1600 = vector.shape_cast %slice3A_1599 : vector<1x70x128xf32> to vector<70x128xf32>
    %select_n3A_1601 = arith.select %eq3A_1598, %squeeze3A_1600, %select_n3A_1595 : vector<70x128xi1>, vector<70x128xf32>
    %eq3A_1602 = arith.constant 7 : i32
    %eq3A_1603 = vector.broadcast %eq3A_1602 : i32 to vector<70x128xi32>
    %eq3A_1604 = arith.cmpi eq, %select_n3A_1300, %eq3A_1603 : vector<70x128xi32>
    %slice3A_1605 = vector.extract_strided_slice %get3A_1449 {offsets = [7, 0, 0], sizes = [1, 70, 128], strides = [1, 1, 1]} : vector<21x70x128xf32> to vector<1x70x128xf32>
    %squeeze3A_1606 = vector.shape_cast %slice3A_1605 : vector<1x70x128xf32> to vector<70x128xf32>
    %select_n3A_1607 = arith.select %eq3A_1604, %squeeze3A_1606, %select_n3A_1601 : vector<70x128xi1>, vector<70x128xf32>
    %eq3A_1608 = arith.constant 8 : i32
    %eq3A_1609 = vector.broadcast %eq3A_1608 : i32 to vector<70x128xi32>
    %eq3A_1610 = arith.cmpi eq, %select_n3A_1300, %eq3A_1609 : vector<70x128xi32>
    %slice3A_1611 = vector.extract_strided_slice %get3A_1449 {offsets = [8, 0, 0], sizes = [1, 70, 128], strides = [1, 1, 1]} : vector<21x70x128xf32> to vector<1x70x128xf32>
    %squeeze3A_1612 = vector.shape_cast %slice3A_1611 : vector<1x70x128xf32> to vector<70x128xf32>
    %select_n3A_1613 = arith.select %eq3A_1610, %squeeze3A_1612, %select_n3A_1607 : vector<70x128xi1>, vector<70x128xf32>
    %eq3A_1614 = arith.constant 9 : i32
    %eq3A_1615 = vector.broadcast %eq3A_1614 : i32 to vector<70x128xi32>
    %eq3A_1616 = arith.cmpi eq, %select_n3A_1300, %eq3A_1615 : vector<70x128xi32>
    %slice3A_1617 = vector.extract_strided_slice %get3A_1449 {offsets = [9, 0, 0], sizes = [1, 70, 128], strides = [1, 1, 1]} : vector<21x70x128xf32> to vector<1x70x128xf32>
    %squeeze3A_1618 = vector.shape_cast %slice3A_1617 : vector<1x70x128xf32> to vector<70x128xf32>
    %select_n3A_1619 = arith.select %eq3A_1616, %squeeze3A_1618, %select_n3A_1613 : vector<70x128xi1>, vector<70x128xf32>
    %eq3A_1620 = arith.constant 10 : i32
    %eq3A_1621 = vector.broadcast %eq3A_1620 : i32 to vector<70x128xi32>
    %eq3A_1622 = arith.cmpi eq, %select_n3A_1300, %eq3A_1621 : vector<70x128xi32>
    %slice3A_1623 = vector.extract_strided_slice %get3A_1449 {offsets = [10, 0, 0], sizes = [1, 70, 128], strides = [1, 1, 1]} : vector<21x70x128xf32> to vector<1x70x128xf32>
    %squeeze3A_1624 = vector.shape_cast %slice3A_1623 : vector<1x70x128xf32> to vector<70x128xf32>
    %select_n3A_1625 = arith.select %eq3A_1622, %squeeze3A_1624, %select_n3A_1619 : vector<70x128xi1>, vector<70x128xf32>
    %eq3A_1626 = arith.constant 11 : i32
    %eq3A_1627 = vector.broadcast %eq3A_1626 : i32 to vector<70x128xi32>
    %eq3A_1628 = arith.cmpi eq, %select_n3A_1300, %eq3A_1627 : vector<70x128xi32>
    %slice3A_1629 = vector.extract_strided_slice %get3A_1449 {offsets = [11, 0, 0], sizes = [1, 70, 128], strides = [1, 1, 1]} : vector<21x70x128xf32> to vector<1x70x128xf32>
    %squeeze3A_1630 = vector.shape_cast %slice3A_1629 : vector<1x70x128xf32> to vector<70x128xf32>
    %select_n3A_1631 = arith.select %eq3A_1628, %squeeze3A_1630, %select_n3A_1625 : vector<70x128xi1>, vector<70x128xf32>
    %eq3A_1632 = arith.constant 12 : i32
    %eq3A_1633 = vector.broadcast %eq3A_1632 : i32 to vector<70x128xi32>
    %eq3A_1634 = arith.cmpi eq, %select_n3A_1300, %eq3A_1633 : vector<70x128xi32>
    %slice3A_1635 = vector.extract_strided_slice %get3A_1449 {offsets = [12, 0, 0], sizes = [1, 70, 128], strides = [1, 1, 1]} : vector<21x70x128xf32> to vector<1x70x128xf32>
    %squeeze3A_1636 = vector.shape_cast %slice3A_1635 : vector<1x70x128xf32> to vector<70x128xf32>
    %select_n3A_1637 = arith.select %eq3A_1634, %squeeze3A_1636, %select_n3A_1631 : vector<70x128xi1>, vector<70x128xf32>
    %eq3A_1638 = arith.constant 13 : i32
    %eq3A_1639 = vector.broadcast %eq3A_1638 : i32 to vector<70x128xi32>
    %eq3A_1640 = arith.cmpi eq, %select_n3A_1300, %eq3A_1639 : vector<70x128xi32>
    %slice3A_1641 = vector.extract_strided_slice %get3A_1449 {offsets = [13, 0, 0], sizes = [1, 70, 128], strides = [1, 1, 1]} : vector<21x70x128xf32> to vector<1x70x128xf32>
    %squeeze3A_1642 = vector.shape_cast %slice3A_1641 : vector<1x70x128xf32> to vector<70x128xf32>
    %select_n3A_1643 = arith.select %eq3A_1640, %squeeze3A_1642, %select_n3A_1637 : vector<70x128xi1>, vector<70x128xf32>
    %eq3A_1644 = arith.constant 14 : i32
    %eq3A_1645 = vector.broadcast %eq3A_1644 : i32 to vector<70x128xi32>
    %eq3A_1646 = arith.cmpi eq, %select_n3A_1300, %eq3A_1645 : vector<70x128xi32>
    %slice3A_1647 = vector.extract_strided_slice %get3A_1449 {offsets = [14, 0, 0], sizes = [1, 70, 128], strides = [1, 1, 1]} : vector<21x70x128xf32> to vector<1x70x128xf32>
    %squeeze3A_1648 = vector.shape_cast %slice3A_1647 : vector<1x70x128xf32> to vector<70x128xf32>
    %select_n3A_1649 = arith.select %eq3A_1646, %squeeze3A_1648, %select_n3A_1643 : vector<70x128xi1>, vector<70x128xf32>
    %eq3A_1650 = arith.constant 15 : i32
    %eq3A_1651 = vector.broadcast %eq3A_1650 : i32 to vector<70x128xi32>
    %eq3A_1652 = arith.cmpi eq, %select_n3A_1300, %eq3A_1651 : vector<70x128xi32>
    %slice3A_1653 = vector.extract_strided_slice %get3A_1449 {offsets = [15, 0, 0], sizes = [1, 70, 128], strides = [1, 1, 1]} : vector<21x70x128xf32> to vector<1x70x128xf32>
    %squeeze3A_1654 = vector.shape_cast %slice3A_1653 : vector<1x70x128xf32> to vector<70x128xf32>
    %select_n3A_1655 = arith.select %eq3A_1652, %squeeze3A_1654, %select_n3A_1649 : vector<70x128xi1>, vector<70x128xf32>
    %eq3A_1656 = arith.constant 16 : i32
    %eq3A_1657 = vector.broadcast %eq3A_1656 : i32 to vector<70x128xi32>
    %eq3A_1658 = arith.cmpi eq, %select_n3A_1300, %eq3A_1657 : vector<70x128xi32>
    %slice3A_1659 = vector.extract_strided_slice %get3A_1449 {offsets = [16, 0, 0], sizes = [1, 70, 128], strides = [1, 1, 1]} : vector<21x70x128xf32> to vector<1x70x128xf32>
    %squeeze3A_1660 = vector.shape_cast %slice3A_1659 : vector<1x70x128xf32> to vector<70x128xf32>
    %select_n3A_1661 = arith.select %eq3A_1658, %squeeze3A_1660, %select_n3A_1655 : vector<70x128xi1>, vector<70x128xf32>
    %eq3A_1662 = arith.constant 17 : i32
    %eq3A_1663 = vector.broadcast %eq3A_1662 : i32 to vector<70x128xi32>
    %eq3A_1664 = arith.cmpi eq, %select_n3A_1300, %eq3A_1663 : vector<70x128xi32>
    %slice3A_1665 = vector.extract_strided_slice %get3A_1449 {offsets = [17, 0, 0], sizes = [1, 70, 128], strides = [1, 1, 1]} : vector<21x70x128xf32> to vector<1x70x128xf32>
    %squeeze3A_1666 = vector.shape_cast %slice3A_1665 : vector<1x70x128xf32> to vector<70x128xf32>
    %select_n3A_1667 = arith.select %eq3A_1664, %squeeze3A_1666, %select_n3A_1661 : vector<70x128xi1>, vector<70x128xf32>
    %eq3A_1668 = arith.constant 18 : i32
    %eq3A_1669 = vector.broadcast %eq3A_1668 : i32 to vector<70x128xi32>
    %eq3A_1670 = arith.cmpi eq, %select_n3A_1300, %eq3A_1669 : vector<70x128xi32>
    %slice3A_1671 = vector.extract_strided_slice %get3A_1449 {offsets = [18, 0, 0], sizes = [1, 70, 128], strides = [1, 1, 1]} : vector<21x70x128xf32> to vector<1x70x128xf32>
    %squeeze3A_1672 = vector.shape_cast %slice3A_1671 : vector<1x70x128xf32> to vector<70x128xf32>
    %select_n3A_1673 = arith.select %eq3A_1670, %squeeze3A_1672, %select_n3A_1667 : vector<70x128xi1>, vector<70x128xf32>
    %eq3A_1674 = arith.constant 19 : i32
    %eq3A_1675 = vector.broadcast %eq3A_1674 : i32 to vector<70x128xi32>
    %eq3A_1676 = arith.cmpi eq, %select_n3A_1300, %eq3A_1675 : vector<70x128xi32>
    %slice3A_1677 = vector.extract_strided_slice %get3A_1449 {offsets = [19, 0, 0], sizes = [1, 70, 128], strides = [1, 1, 1]} : vector<21x70x128xf32> to vector<1x70x128xf32>
    %squeeze3A_1678 = vector.shape_cast %slice3A_1677 : vector<1x70x128xf32> to vector<70x128xf32>
    %select_n3A_1679 = arith.select %eq3A_1676, %squeeze3A_1678, %select_n3A_1673 : vector<70x128xi1>, vector<70x128xf32>
    %eq3A_1680 = arith.constant 20 : i32
    %eq3A_1681 = vector.broadcast %eq3A_1680 : i32 to vector<70x128xi32>
    %eq3A_1682 = arith.cmpi eq, %select_n3A_1300, %eq3A_1681 : vector<70x128xi32>
    %slice3A_1683 = vector.extract_strided_slice %get3A_1449 {offsets = [20, 0, 0], sizes = [1, 70, 128], strides = [1, 1, 1]} : vector<21x70x128xf32> to vector<1x70x128xf32>
    %squeeze3A_1684 = vector.shape_cast %slice3A_1683 : vector<1x70x128xf32> to vector<70x128xf32>
    %select_n3A_1685 = arith.select %eq3A_1682, %squeeze3A_1684, %select_n3A_1679 : vector<70x128xi1>, vector<70x128xf32>
    %sub3A_1686 = arith.subf %add3A_1557, %select_n3A_1685 : vector<70x128xf32>
    %convert_element_type3A_1687 = arith.extui %gt3A_1303 : vector<70x128xi1> to vector<70x128xi32>
    %reduce_sum3A_1688 = vector.shape_cast %convert_element_type3A_1687 : vector<70x128xi32> to vector<1x70x128xi32>
    %reduce_sum3A_1689 = arith.constant dense<0> : vector<1xi32>
    %reduce_sum3A_1690 = vector.multi_reduction <add>, %reduce_sum3A_1688, %reduce_sum3A_1689 [1, 2] : vector<1x70x128xi32> to vector<1xi32>
    %reduce_sum3A_1691 = vector.shape_cast %reduce_sum3A_1690 : vector<1xi32> to vector<1x1x1xi32>
    %reduce_sum3A_1692 = vector.extract %reduce_sum3A_1691[0, 0, 0] : i32 from vector<1x1x1xi32>
    %mul3A_1693 = arith.constant 3 : i32
    %mul3A_1694 = arith.muli %mul3A_1693, %reduce_sum3A_1692 : i32
    %min3A_1695 = arith.constant 8731 : i32
    %min3A_1696 = arith.minsi %mul3A_1694, %min3A_1695 : i32
    %jit3A_1697 = arith.constant 0.000000e+00 : f32
    %broadcast_in_dim3A_1698 = vector.broadcast %jit3A_1697 : f32 to vector<70x128xf32>
    %select_n3A_1699 = arith.select %gt3A_1303, %sub3A_1686, %broadcast_in_dim3A_1698 : vector<70x128xi1>, vector<70x128xf32>
    %reduce_sum3A_1700 = vector.shape_cast %select_n3A_1699 : vector<70x128xf32> to vector<1x70x128xf32>
    %reduce_sum3A_1701 = arith.constant dense<0.000000e+00> : vector<1xf32>
    %reduce_sum3A_1702 = vector.multi_reduction <add>, %reduce_sum3A_1700, %reduce_sum3A_1701 [1, 2] : vector<1x70x128xf32> to vector<1xf32>
    %reduce_sum3A_1703 = vector.shape_cast %reduce_sum3A_1702 : vector<1xf32> to vector<1x1x1xf32>
    %reduce_sum3A_1704 = vector.extract %reduce_sum3A_1703[0, 0, 0] : f32 from vector<1x1x1xf32>
    %not3A = arith.constant dense<true> : vector<70x128xi1>
    %not3A_1705 = arith.xori %lt3A_4, %not3A : vector<70x128xi1>
    %or3A = arith.ori %gt3A_1303, %not3A_1705 : vector<70x128xi1>
    %jit3A_1706 = arith.constant 0.000000e+00 : f32
    %broadcast_in_dim3A_1707 = vector.broadcast %jit3A_1706 : f32 to vector<70x128xf32>
    %select_n3A_1708 = arith.select %or3A, %broadcast_in_dim3A_1707, %sub3A_1686 : vector<70x128xi1>, vector<70x128xf32>
    %bitcast_convert_type3A = tpu.bitcast %select_n3A_1708 : vector<70x128xf32> -> vector<70x128xi32>
    %scan3A = arith.constant 0 : i32
    %scan3A_1709 = arith.constant 2139095039 : i32
    %scan3A_1710 = arith.constant 0 : i32
    %scan3A_1711 = arith.constant 32 : i32
    %scan3A_1712 = arith.addi %scan3A_1710, %scan3A_1711 : i32
    %scan3A_1713 = arith.constant 1 : i32
    %scan3A_1714:2 = scf.for %scan3A_1768 = %scan3A_1710 to %scan3A_1712 step %scan3A_1713 iter_args(%scan3A_1769 = %scan3A, %scan3A_1770 = %scan3A_1709) -> (i32, i32)  : i32 {
      %sub3A_1771 = arith.subi %scan3A_1770, %scan3A_1769 : i32
      %add3A_1772 = arith.constant 1 : i32
      %add3A_1773 = arith.addi %sub3A_1771, %add3A_1772 : i32
      %jit3A_1774 = arith.constant 2 : i32
      %div3A_1775 = arith.divsi %add3A_1773, %jit3A_1774 : i32
      %sign3A = arith.constant 0 : i32
      %sign3A_1776 = arith.cmpi sgt, %add3A_1773, %sign3A : i32
      %sign3A_1777 = arith.extui %sign3A_1776 : i1 to i32
      %sign3A_1778 = arith.constant 0 : i32
      %sign3A_1779 = arith.cmpi slt, %add3A_1773, %sign3A_1778 : i32
      %sign3A_1780 = arith.extui %sign3A_1779 : i1 to i32
      %sign3A_1781 = arith.subi %sign3A_1777, %sign3A_1780 : i32
      %sign3A_1782 = arith.constant 0 : i32
      %sign3A_1783 = arith.cmpi sgt, %jit3A_1774, %sign3A_1782 : i32
      %sign3A_1784 = arith.extui %sign3A_1783 : i1 to i32
      %sign3A_1785 = arith.constant 0 : i32
      %sign3A_1786 = arith.cmpi slt, %jit3A_1774, %sign3A_1785 : i32
      %sign3A_1787 = arith.extui %sign3A_1786 : i1 to i32
      %sign3A_1788 = arith.subi %sign3A_1784, %sign3A_1787 : i32
      %ne3A = arith.cmpi ne, %sign3A_1781, %sign3A_1788 : i32
      %rem3A = arith.remsi %add3A_1773, %jit3A_1774 : i32
      %ne3A_1789 = arith.constant 0 : i32
      %ne3A_1790 = arith.cmpi ne, %rem3A, %ne3A_1789 : i32
      %and3A = arith.andi %ne3A, %ne3A_1790 : i1
      %sub3A_1791 = arith.constant 1 : i32
      %sub3A_1792 = arith.subi %div3A_1775, %sub3A_1791 : i32
      %select_n3A_1793 = arith.select %and3A, %sub3A_1792, %div3A_1775 : i32
      %add3A_1794 = arith.addi %scan3A_1769, %select_n3A_1793 : i32
      %ge3A = vector.broadcast %add3A_1794 : i32 to vector<70x128xi32>
      %ge3A_1795 = arith.cmpi sge, %bitcast_convert_type3A, %ge3A : vector<70x128xi32>
      %convert_element_type3A_1796 = arith.extui %ge3A_1795 : vector<70x128xi1> to vector<70x128xi32>
      %reduce_sum3A_1797 = vector.shape_cast %convert_element_type3A_1796 : vector<70x128xi32> to vector<1x70x128xi32>
      %reduce_sum3A_1798 = arith.constant dense<0> : vector<1xi32>
      %reduce_sum3A_1799 = vector.multi_reduction <add>, %reduce_sum3A_1797, %reduce_sum3A_1798 [1, 2] : vector<1x70x128xi32> to vector<1xi32>
      %reduce_sum3A_1800 = vector.shape_cast %reduce_sum3A_1799 : vector<1xi32> to vector<1x1x1xi32>
      %reduce_sum3A_1801 = vector.extract %reduce_sum3A_1800[0, 0, 0] : i32 from vector<1x1x1xi32>
      %ge3A_1802 = arith.cmpi sge, %reduce_sum3A_1801, %min3A_1696 : i32
      %select_n3A_1803 = arith.select %ge3A_1802, %add3A_1794, %scan3A_1769 : i32
      %sub3A_1804 = arith.constant 1 : i32
      %sub3A_1805 = arith.subi %add3A_1794, %sub3A_1804 : i32
      %select_n3A_1806 = arith.select %ge3A_1802, %scan3A_1770, %sub3A_1805 : i32
      scf.yield %select_n3A_1803, %select_n3A_1806 : i32, i32
    }
    %le3A = vector.broadcast %scan3A_1714#0 : i32 to vector<70x128xi32>
    %le3A_1715 = arith.cmpi sle, %bitcast_convert_type3A, %le3A : vector<70x128xi32>
    %jit3A_1716 = arith.constant 0.000000e+00 : f32
    %broadcast_in_dim3A_1717 = vector.broadcast %jit3A_1716 : f32 to vector<70x128xf32>
    %select_n3A_1718 = arith.select %le3A_1715, %select_n3A_1708, %broadcast_in_dim3A_1717 : vector<70x128xi1>, vector<70x128xf32>
    %reduce_max3A_1719 = vector.shape_cast %select_n3A_1718 : vector<70x128xf32> to vector<1x70x128xf32>
    %reduce_max3A_1720 = arith.constant dense<0xFF800000> : vector<1xf32>
    %reduce_max3A_1721 = vector.multi_reduction <maximumf>, %reduce_max3A_1719, %reduce_max3A_1720 [1, 2] : vector<1x70x128xf32> to vector<1xf32>
    %reduce_max3A_1722 = vector.shape_cast %reduce_max3A_1721 : vector<1xf32> to vector<1x1x1xf32>
    %reduce_max3A_1723 = vector.extract %reduce_max3A_1722[0, 0, 0] : f32 from vector<1x1x1xf32>
    %gt3A_1724 = vector.broadcast %scan3A_1714#0 : i32 to vector<70x128xi32>
    %gt3A_1725 = arith.cmpi sgt, %bitcast_convert_type3A, %gt3A_1724 : vector<70x128xi32>
    %convert_element_type3A_1726 = arith.extui %gt3A_1725 : vector<70x128xi1> to vector<70x128xi32>
    %reduce_sum3A_1727 = vector.shape_cast %convert_element_type3A_1726 : vector<70x128xi32> to vector<1x70x128xi32>
    %reduce_sum3A_1728 = arith.constant dense<0> : vector<1xi32>
    %reduce_sum3A_1729 = vector.multi_reduction <add>, %reduce_sum3A_1727, %reduce_sum3A_1728 [1, 2] : vector<1x70x128xi32> to vector<1xi32>
    %reduce_sum3A_1730 = vector.shape_cast %reduce_sum3A_1729 : vector<1xi32> to vector<1x1x1xi32>
    %reduce_sum3A_1731 = vector.extract %reduce_sum3A_1730[0, 0, 0] : i32 from vector<1x1x1xi32>
    %gt3A_1732 = vector.broadcast %scan3A_1714#0 : i32 to vector<70x128xi32>
    %gt3A_1733 = arith.cmpi sgt, %bitcast_convert_type3A, %gt3A_1732 : vector<70x128xi32>
    %jit3A_1734 = arith.constant 0.000000e+00 : f32
    %broadcast_in_dim3A_1735 = vector.broadcast %jit3A_1734 : f32 to vector<70x128xf32>
    %select_n3A_1736 = arith.select %gt3A_1733, %select_n3A_1708, %broadcast_in_dim3A_1735 : vector<70x128xi1>, vector<70x128xf32>
    %reduce_sum3A_1737 = vector.shape_cast %select_n3A_1736 : vector<70x128xf32> to vector<1x70x128xf32>
    %reduce_sum3A_1738 = arith.constant dense<0.000000e+00> : vector<1xf32>
    %reduce_sum3A_1739 = vector.multi_reduction <add>, %reduce_sum3A_1737, %reduce_sum3A_1738 [1, 2] : vector<1x70x128xf32> to vector<1xf32>
    %reduce_sum3A_1740 = vector.shape_cast %reduce_sum3A_1739 : vector<1xf32> to vector<1x1x1xf32>
    %reduce_sum3A_1741 = vector.extract %reduce_sum3A_1740[0, 0, 0] : f32 from vector<1x1x1xf32>
    %sub3A_1742 = arith.subi %min3A_1696, %reduce_sum3A_1731 : i32
    %convert_element_type3A_1743 = arith.sitofp %sub3A_1742 : i32 to f32
    %mul3A_1744 = arith.mulf %convert_element_type3A_1743, %reduce_max3A_1723 : f32
    %add3A_1745 = arith.addf %reduce_sum3A_1741, %mul3A_1744 : f32
    %broadcast_in_dim3A_1746 = vector.broadcast %add3A_1443 : f32 to vector<1x1xf32>
    %swap3A = arith.constant 0 : index
    %swap3A_1747 = arith.constant 0 : index
    %swap3A_1748 = arith.constant 0 : index
    %swap3A_1749 = vector.load %arg5[%swap3A, %swap3A_1747, %swap3A_1748] : memref<1x1x1xf32, #tpu.memory_space<vmem>>, vector<1x1x1xf32>
    %swap3A_1750 = vector.shape_cast %swap3A_1749 : vector<1x1x1xf32> to vector<1x1xf32>
    %swap3A_1751 = vector.shape_cast %broadcast_in_dim3A_1746 : vector<1x1xf32> to vector<1x1x1xf32>
    tpu.vector_store %arg5[%swap3A, %swap3A_1747, %swap3A_1748], %swap3A_1751 {strides = array<i32>} : memref<1x1x1xf32, #tpu.memory_space<vmem>>, vector<1x1x1xf32>,
    %add3A_1752 = arith.addf %reduce_sum3A_1704, %add3A_1745 : f32
    %broadcast_in_dim3A_1753 = vector.broadcast %add3A_1752 : f32 to vector<1x1xf32>
    %swap3A_1754 = arith.constant 0 : index
    %swap3A_1755 = arith.constant 0 : index
    %swap3A_1756 = arith.constant 0 : index
    %swap3A_1757 = vector.load %arg6[%swap3A_1754, %swap3A_1755, %swap3A_1756] : memref<1x1x1xf32, #tpu.memory_space<vmem>>, vector<1x1x1xf32>
    %swap3A_1758 = vector.shape_cast %swap3A_1757 : vector<1x1x1xf32> to vector<1x1xf32>
    %swap3A_1759 = vector.shape_cast %broadcast_in_dim3A_1753 : vector<1x1xf32> to vector<1x1x1xf32>
    tpu.vector_store %arg6[%swap3A_1754, %swap3A_1755, %swap3A_1756], %swap3A_1759 {strides = array<i32>} : memref<1x1x1xf32, #tpu.memory_space<vmem>>, vector<1x1x1xf32>,
    %convert_element_type3A_1760 = arith.sitofp %reduce_sum3A_1692 : i32 to f32
    %broadcast_in_dim3A_1761 = vector.broadcast %convert_element_type3A_1760 : f32 to vector<1x1xf32>
    %swap3A_1762 = arith.constant 0 : index
    %swap3A_1763 = arith.constant 0 : index
    %swap3A_1764 = arith.constant 0 : index
    %swap3A_1765 = vector.load %arg7[%swap3A_1762, %swap3A_1763, %swap3A_1764] : memref<1x1x1xf32, #tpu.memory_space<vmem>>, vector<1x1x1xf32>
    %swap3A_1766 = vector.shape_cast %swap3A_1765 : vector<1x1x1xf32> to vector<1x1xf32>
    %swap3A_1767 = vector.shape_cast %broadcast_in_dim3A_1761 : vector<1x1xf32> to vector<1x1x1xf32>
    tpu.vector_store %arg7[%swap3A_1762, %swap3A_1763, %swap3A_1764], %swap3A_1767 {strides = array<i32>} : memref<1x1x1xf32, #tpu.memory_space<vmem>>, vector<1x1x1xf32>,
    return
  }
  func.func @transform_0(%arg0: i32) -> (i32, i32, i32) {
    %c0_i32 = arith.constant 0 : i32
    %c0_i32_0 = arith.constant 0 : i32
    %c0_i32_1 = arith.constant 0 : i32
    return %arg0, %c0_i32, %c0_i32_0 : i32, i32, i32
  }
  func.func @transform_1(%arg0: i32) -> (i32, i32, i32) {
    %c0_i32 = arith.constant 0 : i32
    %c0_i32_0 = arith.constant 0 : i32
    %c0_i32_1 = arith.constant 0 : i32
    %c0_i32_2 = arith.constant 0 : i32
    return %c0_i32, %c0_i32_0, %c0_i32_1 : i32, i32, i32
  }
  func.func @transform_2(%arg0: i32) -> (i32, i32, i32, i32) {
    %c0_i32 = arith.constant 0 : i32
    %c0_i32_0 = arith.constant 0 : i32
    %c0_i32_1 = arith.constant 0 : i32
    %c0_i32_2 = arith.constant 0 : i32
    return %arg0, %c0_i32, %c0_i32_0, %c0_i32_1 : i32, i32, i32, i32
  }
  func.func @transform_3(%arg0: i32) -> (i32, i32, i32, i32) {
    %c0_i32 = arith.constant 0 : i32
    %c0_i32_0 = arith.constant 0 : i32
    %c0_i32_1 = arith.constant 0 : i32
    %c0_i32_2 = arith.constant 0 : i32
    return %arg0, %c0_i32, %c0_i32_0, %c0_i32_1 : i32, i32, i32, i32
  }
  func.func @transform_4(%arg0: i32) -> (i32, i32, i32) {
    %c0_i32 = arith.constant 0 : i32
    %c0_i32_0 = arith.constant 0 : i32
    %c0_i32_1 = arith.constant 0 : i32
    return %arg0, %c0_i32, %c0_i32_0 : i32, i32, i32
  }
  func.func @transform_5(%arg0: i32) -> (i32, i32, i32) {
    %c0_i32 = arith.constant 0 : i32
    %c0_i32_0 = arith.constant 0 : i32
    %c0_i32_1 = arith.constant 0 : i32
    return %arg0, %c0_i32, %c0_i32_0 : i32, i32, i32
  }
  func.func @transform_6(%arg0: i32) -> (i32, i32, i32) {
    %c0_i32 = arith.constant 0 : i32
    %c0_i32_0 = arith.constant 0 : i32
    %c0_i32_1 = arith.constant 0 : i32
    return %arg0, %c0_i32, %c0_i32_0 : i32, i32, i32
  }
}

</mosaic_0001>

<sc_bundles>
// kernel: sparse-core-data-format-call.cloned.1.call-start
scs
called_computation_lowered:
.L_overlay_start_0:
0x0: {  	s2 =	sld [smem:$0x3FD9]  }
0x1: {  	s3 =	sld [smem:$0x3FFE];
	_ =	sdelay $0x1  }
0x2: {  	s1 =	srdreg.scid  }
0x3: {  	s0 =	sand.u32 $0x1, s1  }
0x4: {  	s18 =	sshll.u32 s0, $0xA;
	s2 =	sadd.s32 s3, s2  }
0x5: {  	s2 =	sadd.s32 s2, s18  }
0x6: {  	[smem:$0x3FC4] =	sst s2  }
0x7: {  	_ = 	snop  }
0x8: {  	s2 =	sld [smem:$0x3FC8];
	(tm) =	ssettm $0x1  }
0x9: {  	s19 =	sld [smem:$0x3FFB];
	_ =	sdelay $0x3  }
0xa: {  	_ =	strace s19  }
0xb: {  	s3 =	sld [smem:$0x3FFC];
	_ =	sdelay $0x3  }
0xc: {  	_ =	strace s3  }
0xd: {  	s3 =	sld [smem:$0x3FFD];
	_ =	sdelay $0x3  }
0xe: {  	_ =	strace s3  }
0xf: {  	_ =	strace $0x8FFFFFFF  }
0x10: {  	s20 =	sld [smem:$0x3FDB];
	_ =	sdelay $0x1  }
0x11: {  	s4 =	simm.s32 $_scs_section_size  }
0x12: {  	s5 =	simm.s32 $_size__tile_overlayer_lowered;
	s6 =	simm.s32 $_tile_overlayer_lowered  }
0x13: {  	s23 =	simm.s32 $0x1BFF;
	s22 =	sshll.u32 s6, $0x1;
	s3 =	sadd.s32 s4, s20  }
0x14: {  	s7 =	simm.s32 $0x0;
	s21 =	sshll.u32 s5, $0x1;
	s5 =	sadd.s32 s22, s3  }
0x15: {  	[timem:s7], [sflag:s23] =	dma.local [hbm:s5], s21  }
0x16: {  	_ =	swait.ge [sflag:s23], s21  }
0x17: {  	s4 =	ssub.s32 $0x0, s21;
	[sflag:s23] =	ssyncset.done $0x0  }
0x18: {  	[sflag:s23] =	ssyncadd.s32 s4;
	_ =	sdelay $0x1  }
0x19: {  	s24 =	simm.s32 $0x1B8B  }
0x1a: {  	_ =	swait.ge [sflag:s24], $0x1  }
0x1b: {  	[sflag:s24] =	ssyncset.done $0x0  }
0x1c: {  	s26 =	simm.s32 $0x1B8E;
	s25 =	sld [smem:$0x3FFE];
	[sflag:s24] =	ssyncadd.s32 $0xFFFFFFFF  }
0x1d: {  	s27 =	simm.s32 $execute0_lowered;
	[smem:$0x3FD2] =	sst s26  }
0x1e: {  	s5 =	sshll.u32 s27, $0x1;
	_ =	strace $0x80000046;
	[dreg:$0x1] =	wrdreg $0xFFFFFFFF  }
0x1f: {  	s28 =	simm.s32 $_size_execute0_lowered;
	s3 =	sadd.s32 s3, s5;
	[dreg:$0x0] =	wrdreg $0x0  }
0x20: {  	s5 =	sshll.u32 s28, $0x1;
	[dreg:$0x2] =	wrdreg s3  }
0x21: {  	[dreg:$0x3] =	wrdreg s5  }
0x22: {  	[dreg:$0x4] =	wrdreg $0xC0  }
0x23: {  	_ =	task [dreg:s7], $0x5FFFF  }
0x24: {  	[dreg:$0x1] =	wrdreg $0xFFFFFFFF  }
0x25: {  	[dreg:$0x0] =	wrdreg $0x60  }
0x26: {  	[dreg:$0x2] =	wrdreg s2  }
0x27: {  	[dreg:$0x3] =	wrdreg s25  }
0x28: {  	[dreg:$0x4] =	wrdreg $0x9  }
0x29: {  	_ =	task.clear_ibuf [dreg:s7], $0x5FFFF;
	_ =	strace $0x90000046  }
0x2a: {  	s29 =	simm.s32 $0x9;
	_ =	strace $0x80000048  }
0x2b: {  	_ =	swait.ge [sflag:s29], $0x1  }
0x2c: {  	[sflag:s29] =	ssyncadd.s32 $0xFFFFFFFF  }
0x2d: {  	_ =	strace $0x90000048  }
0x2e: {  	_ =	sfence  }
0x2f: {  	s30 =	sld [smem:$0x0];
	_ =	sdelay $0x2  }
0x30: {  	s31 =	sshll.u32 s1, $0xD;
	s1 =	sshrl.u32 s1, $0x2  }
0x31: {  	s3 =	sand.u32 $0x4000, s31;
	s1 =	sadd.s32 s1, s30  }
0x32: {  	s0 =	sor.u32 s3, s0;
	s1 =	sshll.u32 s1, $0x11  }
0x33: {  	s0 =	sor.u32 s1, s0  }
0x34: {  	s0 =	sadd.s32 $0x8F2B, s0  }
0x35: {  	[sflag:s0] =	ssyncadd.remote.s32 $0x1  }
0x36: {  	_ =	sfence.sel $0xFFFF  }
0x37: {  	[dreg:$0x0] =	wrdreg $0xFFFFFFFF;
	(pc) =	sbr.abs _section_cstart, $3  }
0x38: {  	[dreg:$0x1] =	wrdreg $0xFFFFFFFF  }
0x39: {  	_ =	task.clear_ibuf [dreg:s7], $0x2FFFF;
	_ =	strace $0x9FFFFFFF  }
0x3a: {  	(tm) =	ssettm $0x7FFFFFFF  }
0x3b: {  	_ =	shalt  }
tec
execute0_lowered:
.L_overlay_start_1:
0x0: {  	(tag) =	ssettag $0x1  }
0x1: {  	s2 =	rddreg [dreg:$0x0]  }
0x2: {  	s0 =	srdreg.scid;
	s5 =	rddreg [dreg:$0x1]  }
0x3: {  	s31 =	simm.s32 $0x2;
	s16 =	simm.s32 $0x0;
	p0 =	por $0x0, $0x0  }
0x4: {  	s8 =	simm.s32 $0xC00;
	s17 =	simm.s32 $0x0;
	s1 =	sshll.u32 s0, $0x4  }
0x5: {  	s18 =	simm.s32 $0x0;
	s0 =	stileid.u32;
	s1 =	sand.u32 $0x10, s1  }
0x6: {  	s9 =	simm.s32 $0x0;
	s10 =	simm.s32 $0x0;
	s1 =	sor.u32 s0, s1  }
0x7: {  	s11 =	simm.s32 $0x0;
	s13 =	simm.s32 $0x0;
	s3 =	sshll.u32 s1, $0x7  }
.Ltmp0:
0x8: {  	s14 =	simm.s32 $0x0;
	s4 =	ssub.s32 $0x2200, s3;
	(pc) =	sbr.rel .LBB1_1-.Ltmp0, $4  }
0x9: {  	s15 =	simm.s32 $0x0;
	s1 =	rddreg [dreg:$0x2];
	s6 =	sshrl.u32 s4, $0xC  }
0xa: {  	_ =	strace $0x80000047;
	s4 =	simm.s32 $0x1;
	s7 =	smul.u32 $0x15, s6  }
0xb: {  	s5 =	sadd.s32 $0xA00, s5;
	s12 =	smov.u32 s3;
	[sflag:s4] =	ssyncpa.u1 $0x0  }
0xc: {  	[sflag:s31] =	ssyncpa.u1 $0x0;
	s6 =	sadd.s32 $0x15, s7;
	s7 =	sadd.s32 $0x16, s7  }
.LBB1_5:
0xd: {  	p1 =	slt.u32 s15, $0x2;
	s20 =	smov.u32 s18  }
0xe: {  	p2 =	sgt.s32 @!p1 s16, $0x219C;
	s19 =	sshra.s32 @!p1 s16, $0x1F;
	p3 =	sgt.s32 @!p1 s18, $0x17  }
0xf: {  	s21 =	sshra.s32 @!p1 s18, $0x1F;
	p2 =	por !p2, p1;
	s19 =	sand.u32 @!p1 s19, s16  }
0x10: {  	p3 =	por !p3, p1;
	s18 =	sand.u32 @!p1 s21, s18;
	s21 =	sshra.s32 @!p1 s17, $0x1F  }
0x11: {  	s20 =	simm.s32 @p3 $0x17;
	p3 =	sgt.s32 @!p1 s17, $0x40;
	s16 =	simm.s32 @p2 $0x219C  }
0x12: {  	s18 =	ssub.s32 @!p1 s20, s18;
	p3 =	por !p3, p1;
	s20 =	smov.u32 s17  }
0x13: {  	s17 =	sand.u32 @!p1 s21, s17;
	s21 =	sadd.s32 @!p1 $0xFFFFFFE9, s18;
	s20 =	simm.s32 @p3 $0x40  }
0x14: {  	s16 =	ssub.s32 @!p1 s16, s19;
	p3 =	sgt.s32 @!p1 s21, $0x0;
	s17 =	ssub.s32 @!p1 s20, s17  }
0x15: {  	s18 =	ssub.s32 @!p1 $0x18, s18;
	p2 =	por !p3, p1;
	s20 =	sadd.s32 @!p1 $0xFFFFFFC0, s17  }
0x16: {  	s19 =	sadd.s32 @!p1 $0xFFFFDE64, s16;
	s18 =	simm.s32 @!p2 $0x0;
	p2 =	sgt.s32 @!p1 s20, $0x3F  }
0x17: {  	s16 =	ssub.s32 @!p1 $0x221C, s16;
	s17 =	ssub.s32 @!p1 $0x80, s17;
	p2 =	por !p2, p1  }
0x18: {  	s20 =	smov.u32 s13;
	s17 =	simm.s32 @!p2 $0x0;
	p2 =	sgt.s32 @!p1 s19, $0x7F  }
0x19: {  	s19 =	sadd.s32 $0x1000, s12;
	p2 =	por !p2, p1;
	s17 =	smul.u32 @!p1 s18, s17  }
0x1a: {  	s18 =	sadd.s32 $0x40, s13;
	s16 =	simm.s32 @!p2 $0x0;
	p2 =	sgt.s32 s19, $0x221B  }
0x1b: {  	s16 =	smul.u32 @!p1 s16, s17;
	s20 =	smov.u32 @p2 s18  }
0x1c: {  	s19 =	smov.u32 @p2 s3;
	s17 =	simm.s32 $0x1;
	p2 =	sgt.s32 s20, $0x3F  }
0x1d: {  	s17 =	simm.s32 @!p2 $0x0  }
0x1e: {  	p0 =	por !p0, !p0;
	s23 =	sadd.s32 s17, s14  }
0x1f: {  	s21 =	simm.s32 @!p1 $0x2;
	s20 =	simm.s32 @p2 $0x0;
	p2 =	sgt.s32 s23, $0x14  }
0x20: {  	s18 =	smov.u32 s11;
	s23 =	simm.s32 @p2 $0x0;
	p2 =	sne.s32 s15, s7  }
.Ltmp1:
0x21: {  	s11 =	smov.u32 s14;
	s16 =	sand.u32 @!p1 $0x3FFFFFFF, s16;
	(pc) =	sbr.rel @!p2 .LBB1_6-.Ltmp1, $4  }
0x22: {  	_ =	swait.ge @!p1 [sflag:s21], s16;
	s22 =	ssub.s32 @!p1 $0x0, s16;
	s16 =	smov.u32 s9  }
0x23: {  	s17 =	smov.u32 s10;
	s9 =	smov.u32 s12;
	s10 =	smov.u32 s13  }
0x24: {  	s12 =	smov.u32 s19;
	s13 =	smov.u32 s20;
	[sflag:s21] =	ssyncset.done @!p1 $0x0  }
0x25: {  	s15 =	sadd.s32 $0x1, s15;
	[sflag:s21] =	ssyncadd.s32 @!p1 s22;
	s14 =	smov.u32 s23  }
.LBB1_1:
0x26: {  	p1 =	sge.u32 s15, s6  }
0x27: {  	s19 =	sshrl.u32 @!p1 s13, $0x3  }
0x28: {  	s20 =	sshll.u32 @!p1 s12, $0x3;
	s19 =	smul.u32 @!p1 $0x11400, s19  }
0x29: {  	s21 =	sshll.u32 @!p1 s13, $0x7;
	s20 =	sand.u32 @!p1 $0xFFFFFC00, s20  }
0x2a: {  	s19 =	sadd.s32 @!p1 s19, s20;
	s20 =	sand.u32 @!p1 $0x380, s21  }
0x2b: {  	s21 =	sand.u32 @!p1 $0x7F, s12;
	s19 =	sor.u32 @!p1 s20, s19  }
0x2c: {  	s20 =	sor.u32 @!p1 s21, s19  }
0x2d: {  	s21 =	smulhi.u32 @!p1 $0x76B981DB, s20  }
0x2e: {  	s19 =	smulhi.u32 @!p1 $0x76B981DB, s19  }
0x2f: {  	s21 =	sshrl.u32 @!p1 s21, $0xC  }
0x30: {  	s19 =	sshrl.u32 @!p1 s19, $0xC;
	s21 =	smul.u32 @!p1 $0x2280, s21  }
0x31: {  	s22 =	sxor.u32 @!p1 $0xFFFFFFFF, s15;
	s23 =	smul.u32 @!p1 $0x11400, s14;
	s19 =	sand.u32 @!p1 $0x3F, s19  }
0x32: {  	s22 =	sshll.u32 @!p1 s22, $0xD;
	s19 =	smul.u32 @!p1 $0x450, s19;
	s20 =	ssub.s32 @!p1 s20, s21  }
0x33: {  	s21 =	sand.u32 @!p1 $0x2000, s22;
	s22 =	sadd.s32 @!p1 s2, s23;
	s23 =	sand.u32 @!p1 $0x7, s20  }
0x34: {  	s20 =	sshrl.u32 @!p1 s20, $0x3;
	s19 =	sadd.s32 @!p1 s19, s22;
	s22 =	sshll.u32 @!p1 s23, $0x12  }
0x35: {  	s19 =	sadd.s32 @!p1 s20, s19;
	s20 =	sor.u32 @!p1 $0x400, s22;
	s22 =	simm.s32 @!p1 $0x11400  }
0x36: {  	[tilespmem:s21], [sflag:$0x1] =	stream.strided.gather @!p1 [hbm4b:s19+s20], $0x2000, s22, s20, $0x38;
	[tilespmem:$0x8100] =	vst v63  }
0x37: {  	p1 =	seq.s32 s15, $0x0  }
0x38: {  	p2 =	sge.u32 @!p1 s15, s7  }
0x39: {  	p1 =	por p1, p2  }
.Ltmp2:
0x3a: {  	_ = 	snop;
	(pc) =	sbr.rel @p1 .LBB1_5-.Ltmp2, $1  }
0x3b: {  	_ =	sdelay $0x3  }
0x3c: {  	s19 =	simm.s32 $0x1  }
0x3d: {  	_ =	swait.ge [sflag:s4], $0x2000;
	s19 =	simm.s32 @!p0 $0x0  }
0x3e: {  	[sflag:s4] =	ssyncset.done $0x0;
	s20 =	sshll.u32 s19, $0xD  }
0x3f: {  	[sflag:s4] =	ssyncadd.s32 $0xFFFFE000;
	s20 =	sor.u32 $0x40, s20  }
0x40: {  	s19 =	smul.u32 $0x8200, s19;
	v0 =	vld [tilespmem:s20+$0x30]  }
0x41: {  	v1 =	vld [tilespmem:s20+$0xFFFFFFD0]  }
0x42: {  	s19 =	sshrl.u32 s19, $0x2;
	v5 =	vld [tilespmem:s20+$0xFFFFFFE0]  }
0x43: {  	v6 =	vld [tilespmem:s20+$0xFFFFFFF0];
	s22 =	sor.u32 $0x4000, s19  }
0x44: {  	s31 =	sand.u32 $0x1, s15;
	v4 =	vld [tilespmem:s20+$0x0];
	s21 =	sadd.s32 $0x0, s22  }
0x45: {  	v3 =	vld [tilespmem:s20+$0x10];
	s19 =	smul.u32 $0x8200, s31;
	[tilespmem:s21+$0x1C70 ss:$0x41] =	vst.msk $0xffff, v0  }
0x46: {  	v2 =	vld [tilespmem:s20+$0x20];
	[tilespmem:s21+$0x410 ss:$0x41] =	vst.msk $0xffff, v1  }
0x47: {  	s19 =	sshrl.u32 s19, $0x2;
	v1 =	vld [tilespmem:s20+$0xFFFFFFC0];
	[tilespmem:s21+$0x820 ss:$0x41] =	vst.msk $0xffff, v5;
	s20 =	sadd.s32 $0x80, s20  }
0x48: {  	s23 =	simm.s32 $0x4;
	s24 =	simm.s32 $0x8;
	s19 =	sor.u32 $0x4000, s19;
	[tilespmem:s21+$0xC30 ss:$0x41] =	vst.msk $0xffff, v6;
	v0 =	vld [tilespmem:s20+$0x30]  }
.LBB1_3:
0x49: {  	p1 =	sne.s32 s24, $0xFC;
	v5 =	vld [tilespmem:s20+$0xFFFFFFD0];
	[tilespmem:s21+$0x1040 ss:$0x41] =	vst.msk $0xffff, v4  }
0x4a: {  	v6 =	vld [tilespmem:s20+$0xFFFFFFE0];
	[tilespmem:s21+$0x1450 ss:$0x41] =	vst.msk $0xffff, v3  }
0x4b: {  	s25 =	sshra.s32 s23, $0x2;
	s23 =	smov.u32 s24;
	v7 =	vld [tilespmem:s20+$0xFFFFFFF0];
	[tilespmem:s21+$0x1860 ss:$0x41] =	vst.msk $0xffff, v2  }
.Ltmp3:
0x4c: {  	v4 =	vld [tilespmem:s20+$0x0];
	[tilespmem:s21+$0x0 ss:$0x41] =	vst.msk $0xffff, v1;
	s21 =	sadd.s32 s25, s22;
	(pc) =	sbr.rel @p1 .LBB1_3-.Ltmp3, $4  }
0x4d: {  	v3 =	vld [tilespmem:s20+$0x10];
	[tilespmem:s21+$0x1C70 ss:$0x41] =	vst.msk $0xffff, v0  }
0x4e: {  	[tilespmem:s21+$0x410 ss:$0x41] =	vst.msk $0xffff, v5;
	v2 =	vld [tilespmem:s20+$0x20]  }
0x4f: {  	v1 =	vld [tilespmem:s20+$0xFFFFFFC0];
	[tilespmem:s21+$0x820 ss:$0x41] =	vst.msk $0xffff, v6;
	s20 =	sadd.s32 $0x80, s20  }
0x50: {  	s24 =	sadd.s32 $0x4, s24;
	v0 =	vld [tilespmem:s20+$0x30];
	[tilespmem:s21+$0xC30 ss:$0x41] =	vst.msk $0xffff, v7  }
0x51: {  	s24 =	sshll.u32 s11, $0x7;
	s25 =	sshll.u32 s10, $0x3;
	s23 =	sshra.s32 s23, $0x2  }
0x52: {  	p1 =	sgt.s32 s9, $0x219C;
	s26 =	sand.u32 $0xFFFFFC00, s24;
	s25 =	sand.u32 $0xFFFFFC00, s25  }
0x53: {  	s27 =	sshra.s32 s9, $0x1F;
	s24 =	sand.u32 $0x380, s24;
	s25 =	sadd.s32 s26, s25  }
0x54: {  	s28 =	sshra.s32 s11, $0x1F;
	v5 =	vld [tilespmem:s20+$0xFFFFFFD0];
	s22 =	sadd.s32 s23, s22;
	s26 =	sor.u32 s24, s25  }
0x55: {  	v58 =	vld [tilespmem:s20+$0xFFFFFFE0];
	s24 =	smov.u32 s9;
	s25 =	sand.u32 s27, s9;
	s23 =	sshrl.u32 s26, $0x7  }
0x56: {  	v59 =	vld [tilespmem:s20+$0xFFFFFFF0];
	s24 =	simm.s32 @!p1 $0x219C;
	p1 =	sgt.s32 s11, $0x17;
	s26 =	smov.u32 s11  }
0x57: {  	v60 =	vld [tilespmem:s20+$0x0];
	s27 =	smov.u32 s10;
	s24 =	ssub.s32 s24, s25;
	s26 =	simm.s32 @!p1 $0x17  }
0x58: {  	[tilespmem:s21+$0x1040 ss:$0x41] =	vst.msk $0xffff, v4;
	v61 =	vld [tilespmem:s20+$0x10];
	s25 =	sand.u32 s28, s11;
	p1 =	sgt.s32 s10, $0x40;
	s28 =	sshra.s32 s10, $0x1F  }
0x59: {  	v62 =	vld [tilespmem:s20+$0x20];
	[tilespmem:s21+$0x1450 ss:$0x41] =	vst.msk $0xffff, v3;
	s30 =	smulhi.u32 $0xAAAAAAB, s23;
	s25 =	ssub.s32 s26, s25;
	s27 =	simm.s32 @!p1 $0x40  }
0x5a: {  	v63 =	vld [tilespmem:s20+$0xFFFFFFC0];
	[tilespmem:s21+$0x1860 ss:$0x41] =	vst.msk $0xffff, v2;
	s29 =	sand.u32 s28, s10;
	s20 =	ssub.s32 $0x221C, s24;
	s28 =	sshrl.u32 s10, $0x3  }
0x5b: {  	[tilespmem:s21+$0x0 ss:$0x41] =	vst.msk $0xffff, v1;
	s26 =	ssub.s32 s27, s29;
	s31 =	sadd.s32 $0xFFFFFFE9, s25;
	s21 =	ssub.s32 $0x18, s25  }
0x5c: {  	[tilespmem:s22+$0x1C70 ss:$0x41] =	vst.msk $0xffff, v0;
	s30 =	smul.u32 $0x18, s30;
	p1 =	sgt.s32 s31, $0x0;
	s29 =	sadd.s32 $0xFFFFFFC0, s26  }
0x5d: {  	[tilespmem:s22+$0x410 ss:$0x41] =	vst.msk $0xffff, v5;
	s25 =	ssub.s32 $0x80, s26;
	s21 =	simm.s32 @p1 $0x0;
	p1 =	sgt.s32 s29, $0x3F  }
0x5e: {  	[tilespmem:s22+$0x820 ss:$0x41] =	vst.msk $0xffff, v58;
	s27 =	smul.u32 $0x180, s9;
	s31 =	sadd.s32 $0xFFFFDE64, s24;
	s25 =	simm.s32 @p1 $0x0  }
0x5f: {  	[tilespmem:s22+$0xC30 ss:$0x41] =	vst.msk $0xffff, v59;
	s23 =	ssub.s32 s23, s30;
	p1 =	sgt.s32 s31, $0x7F;
	s21 =	smul.u32 s21, s25  }
.Ltmp4:
0x60: {  	[tilespmem:s22+$0x1040 ss:$0x41] =	vst.msk $0xffff, v60;
	s24 =	sadd.s32 s5, s27;
	s20 =	simm.s32 @p1 $0x0;
	(pc) =	sbr.rel .LBB1_5-.Ltmp4, $4  }
0x61: {  	[tilespmem:s22+$0x1450 ss:$0x41] =	vst.msk $0xffff, v61;
	s29 =	sand.u32 $0x7, s10;
	s20 =	smul.u32 s20, s21;
	s21 =	sand.u32 $0xF, s28  }
0x62: {  	[tilespmem:s22+$0x1860 ss:$0x41] =	vst.msk $0xffff, v62;
	s23 =	sshll.u32 s23, $0x4;
	s30 =	sshll.u32 s29, $0x12;
	s21 =	sadd.s32 s21, s24  }
0x63: {  	[tilespmem:s22+$0x0 ss:$0x41] =	vst.msk $0xffff, v63;
	s31 =	sor.u32 $0x40, s30;
	s20 =	sand.u32 $0x3FFFFFFF, s20;
	s21 =	sadd.s32 s23, s21  }
0x64: {  	[hbm4b:s21+s31] =	stream.strided.scatter [tilespmem:s19], [sflag:$0x2], s20, s8, s31, $0x18;
	[tilespmem:$0x8100] =	vst v63  }
.LBB1_6:
0x65: {  	_ =	sfence.sel $0x180000  }
0x66: {  	s2 =	simm.s32 $0x1;
	[bflag:$0x0] =	sbarrier.arrive $0xFFFF  }
0x67: {  	s31 =	simm.s32 $0x2;
	[sflag:s2] =	ssyncpa.u1 $0x1  }
0x68: {  	[sflag:s31] =	ssyncpa.u1 $0x1  }
0x69: {  	p0 =	sne.s32 s0, $0x0;
	_ =	strace $0x90000047  }
0x6a: {  	s0 =	sadd.s32 @!p0 $0x100000, s1;
	[bflag:$0x2] =	sbarrier.arrive $0xFFFF  }
0x6b: {  	[sflag:s0] =	ssyncadd.tile.s32 @!p0 $0x1;
	_ =	shalt  }
.Lfunc_end1:
_tile_overlayer_lowered:
.L_overlay_start_2:
0x6c: {  	(tag) =	ssettag $0x2  }
0x6d: {  	s0 =	rddreg [dreg:$0x0];
	s2 =	stileid.u32  }
0x6e: {  	s1 =	rddreg [dreg:$0x1];
	p0 =	sne.s32 s2, $0x0  }
0x6f: {  	s3 =	rddreg [dreg:$0x2];
	[bflag:$0x3] =	sbarrier.arrive $0xFFFF;
	s2 =	simm.s32 @!p0 $0x1C01  }
0x70: {  	[timem:s3], [sflag:s2] =	dma.local @!p0 [hbm:s0], s1  }
0x71: {  	s0 =	simm.s32 @!p0 $0x1  }
0x72: {  	_ =	swait.ge @!p0 [sflag:s0], s1  }
0x73: {  	s1 =	ssub.s32 @!p0 $0x0, s1;
	[sflag:s0] =	ssyncset.done @!p0 $0x0  }
0x74: {  	[sflag:s0] =	ssyncadd.s32 @!p0 s1  }
0x75: {  	[bflag:$0x3] =	sbarrier.arrive $0xFFFF  }
0x76: {  	_ =	shalt  }

</sc_bundles>
